<compile_context>
chip_gen: v7x
topology: tpu7x:2x2x1
jax: 0.10.2.dev20260603
libtpu: 0.0.44.dev20260713+nightly
codegen_flags: <defaults>
</compile_context>

<pallas_src>
import functools

import jax
import jax.numpy as jnp
from jax import lax
from jax.experimental import pallas as pl
from jax.experimental.pallas import tpu as pltpu
from jax.experimental.pallas import tpu_sc as plsc

N = 10000
E = 320000
D = 128
ZD = 64
PE = 8
T = 1024

NC = 2
NS = 16
HALF = N // NC
C = 128
EPT = 20480
TBL = 10016
HN = 5120
RPT = HN // NS
CR = 40


def _sc_aggregate_body(edge_hbm, q_hbm, tn_hbm, zf_hbm, zi_hbm,
                       out_q, out_cnt,
                       msrc, mdst, table, q_buf, cnt_loc, iidx, sidx2,
                       gsem, ssem, acc_q, acc_cnt):
  c_idx = lax.axis_index("c")
  s_idx = lax.axis_index("s")
  lo = c_idx * HALF

  onei32 = jnp.ones((16,), jnp.int32)
  onef32 = jnp.ones((16,), jnp.float32)
  iota16 = lax.iota(jnp.int32, 16)

  iidx[0, pl.ds(0, 16)] = iota16
  iidx[0, pl.ds(16, 16)] = iota16 + 16
  iidx[0, pl.ds(24, 16)] = iota16 + 24

  base = s_idx * RPT
  pltpu.sync_copy(
      [zf_hbm, zf_hbm.at[pl.ds(0, CR)], zi_hbm],
      [acc_q.at[pl.ds(base, RPT)], cnt_loc, table])

  @pl.when(s_idx == 0)
  def _():
    pltpu.sync_copy(zf_hbm.at[pl.ds(0, CR)], acc_cnt)

  pltpu.sync_copy(tn_hbm, msrc.at[pl.ds(0, T)])
  for i in range(T // 16):
    t16 = msrc[pl.ds(i * 16, 16)]
    plsc.store_scatter(table, [t16], onei32)

  pltpu.sync_copy([edge_hbm.at[0, s_idx], edge_hbm.at[1, s_idx]],
                  [msrc.at[pl.ds(0, EPT)], mdst.at[pl.ds(0, EPT)]])

  neg1 = jnp.full((16,), -1, jnp.int32)

  def compact_one(cnt, sv, dv):
    t = plsc.load_gather(table, [jnp.maximum(sv, 0)])
    m = (t == 1) & (sv >= lo) & (sv < lo + HALF)
    rebased = jnp.where(m, sv - lo, 0)
    plsc.addupdate_scatter(
        cnt_loc,
        [lax.shift_right_logical(rebased, 7),
         jnp.bitwise_and(rebased, 127)],
        onef32, mask=m)
    plsc.store_compressed(msrc.at[pl.ds(cnt, 16)], rebased, mask=m)
    plsc.store_compressed(mdst.at[pl.ds(cnt, 16)], dv, mask=m)
    return cnt + jnp.sum(m.astype(jnp.int32))

  def compact_vec(v, cnt):
    off = v * 32
    sv0 = msrc[pl.ds(off, 16)]
    dv0 = mdst[pl.ds(off, 16)]
    sv1 = msrc[pl.ds(off + 16, 16)]
    dv1 = mdst[pl.ds(off + 16, 16)]
    cnt = compact_one(cnt, sv0, dv0)
    return compact_one(cnt, sv1, dv1)
  cnt = lax.fori_loop(0, EPT // 32, compact_vec, jnp.int32(0))

  for k in range(C // 16):
    msrc[pl.ds(cnt + k * 16, 16)] = neg1
    mdst[pl.ds(cnt + k * 16, 16)] = neg1
  nch = lax.div(cnt + C - 1, jnp.int32(C))

  plsc.subcore_barrier()

  def g_desc(ci, b):
    return pltpu.make_async_copy(
        q_hbm.at[plsc.Indices(mdst.at[pl.ds(ci * C, C)], ignored_value=-1)],
        q_buf.at[b], gsem.at[b])

  def s_desc(b):
    return pltpu.make_async_copy(
        q_buf.at[b],
        acc_q.at[plsc.Indices(sidx2.at[b], ignored_value=-1)],
        ssem.at[b])

  @pl.when(nch > 0)
  def _():
    g_desc(0, 0).start()

  def chunk(ci, _):
    b = lax.rem(ci, 2)
    nb = 1 - b

    @pl.when(ci >= 1)
    def _():
      s_desc(nb).wait()

    @pl.when(ci + 1 < nch)
    def _():
      g_desc(ci + 1, nb).start()

    g_desc(ci, b).wait()
    for j in range(C // 16):
      sidx2[b, pl.ds(j * 16, 16)] = msrc[pl.ds(ci * C + j * 16, 16)]
    s_desc(b).start(add=True)
    return 0
  lax.fori_loop(0, nch, chunk, 0)

  @pl.when(nch > 0)
  def _():
    s_desc(lax.rem(nch - 1, 2)).wait()

  pltpu.sync_copy(cnt_loc, acc_cnt.at[plsc.Indices(iidx.at[0])], add=True)

  plsc.subcore_barrier()

  pltpu.sync_copy(acc_q.at[pl.ds(base, RPT)],
                  out_q.at[c_idx, pl.ds(base, RPT)])

  @pl.when(s_idx == 0)
  def _():
    pltpu.sync_copy(acc_cnt, out_cnt.at[c_idx])


_sc_aggregate = functools.partial(
    pl.kernel,
    out_type=(jax.ShapeDtypeStruct((NC, HN, D), jnp.float32),
              jax.ShapeDtypeStruct((NC, CR, D), jnp.float32)),
    mesh=plsc.VectorSubcoreMesh(
        core_axis_name="c", subcore_axis_name="s",
        num_cores=NC, num_subcores=NS),
    compiler_params=pltpu.CompilerParams(needs_layout_passes=False),
    scratch_types=[
        pltpu.VMEM((EPT + C,), jnp.int32),
        pltpu.VMEM((EPT + C,), jnp.int32),
        pltpu.VMEM((TBL,), jnp.int32),
        pltpu.VMEM((2, C, D), jnp.float32),
        pltpu.VMEM((CR, D), jnp.float32),
        pltpu.VMEM((1, CR), jnp.int32),
        pltpu.VMEM((2, C), jnp.int32),
        pltpu.SemaphoreType.DMA((2,)),
        pltpu.SemaphoreType.DMA((2,)),
        pltpu.VMEM_SHARED((HN, D), jnp.float32),
        pltpu.VMEM_SHARED((CR, D), jnp.float32),
    ],
)(_sc_aggregate_body)


_GB = 1000
_GH = HALF // _GB


def _tc_q_body(ctx_r, lappe_r, z_r, peW_r, predW_r, q_r):
  W1 = predW_r[0:D, :]
  W2 = predW_r[D:D + ZD, :]
  pe_n = jnp.dot(lappe_r[...], peW_r[...], preferred_element_type=jnp.float32)
  q_r[...] = (jnp.dot(ctx_r[...], W1, preferred_element_type=jnp.float32)
              + jnp.dot(z_r[...] + pe_n, W2,
                        preferred_element_type=jnp.float32))


def _tc_loss_body(qh, cnth, lappe, tgt, z_r, peW_r, predW_r, predb_r,
                  out_r, sq_acc, pres_acc):
  i = pl.program_id(0)
  j = pl.program_id(1)

  @pl.when((i == 0) & (j == 0))
  def _():
    sq_acc[0] = 0.0
    pres_acc[0] = 0.0

  A = qh[0]
  c = cnth[...]
  present = (c > 0.0).astype(jnp.float32)
  denom = jnp.maximum(c, 1.0)
  W3 = predW_r[D + ZD:D + 2 * ZD, :]
  pe_n = jnp.dot(lappe[...], peW_r[...], preferred_element_type=jnp.float32)
  pred = (A / denom
          + jnp.dot(z_r[...] + pe_n, W3, preferred_element_type=jnp.float32)
          + predb_r[...])
  diff = (pred - tgt[...]) * present
  sq_acc[0] += jnp.sum(diff * diff)
  pres_acc[0] += jnp.sum(present)

  @pl.when((i == NC - 1) & (j == _GH - 1))
  def _():
    out_r[...] = jnp.broadcast_to(
        sq_acc[0] / (pres_acc[0] * jnp.float32(D)), (1, 1))


def kernel(lap_pe, edge_index, context_embedding, target_embedding,
           target_nodes, z, pe_W, pred_W, pred_b):
  edges = jnp.pad(edge_index.reshape(2, NS, E // NS),
                  ((0, 0), (0, 0), (0, EPT - E // NS)),
                  constant_values=-1)

  q = pl.pallas_call(
      _tc_q_body,
      grid=(N // _GB,),
      in_specs=[
          pl.BlockSpec((_GB, D), lambda i: (i, 0)),
          pl.BlockSpec((_GB, PE), lambda i: (i, 0)),
          pl.BlockSpec((1, ZD), lambda i: (0, 0)),
          pl.BlockSpec((PE, ZD), lambda i: (0, 0)),
          pl.BlockSpec((D + 2 * ZD, D), lambda i: (0, 0)),
      ],
      out_specs=pl.BlockSpec((_GB, D), lambda i: (i, 0)),
      out_shape=jax.ShapeDtypeStruct((N, D), jnp.float32),
  )(context_embedding, lap_pe, z, pe_W, pred_W)

  out_q, out_cnt = _sc_aggregate(edges, q, target_nodes,
                                 jnp.zeros((RPT, D), jnp.float32),
                                 jnp.zeros((TBL,), jnp.int32))
  cnt_col = out_cnt.reshape(NC, CR * D)[:, :HALF].reshape(N, 1)

  loss = pl.pallas_call(
      _tc_loss_body,
      grid=(NC, _GH),
      in_specs=[
          pl.BlockSpec((1, _GB, D), lambda i, j: (i, j, 0)),
          pl.BlockSpec((_GB, 1), lambda i, j: (i * _GH + j, 0)),
          pl.BlockSpec((_GB, PE), lambda i, j: (i * _GH + j, 0)),
          pl.BlockSpec((_GB, D), lambda i, j: (i * _GH + j, 0)),
          pl.BlockSpec((1, ZD), lambda i, j: (0, 0)),
          pl.BlockSpec((PE, ZD), lambda i, j: (0, 0)),
          pl.BlockSpec((D + 2 * ZD, D), lambda i, j: (0, 0)),
          pl.BlockSpec((1, D), lambda i, j: (0, 0)),
      ],
      out_specs=pl.BlockSpec((1, 1), lambda i, j: (0, 0)),
      out_shape=jax.ShapeDtypeStruct((1, 1), jnp.float32),
      scratch_shapes=[pltpu.SMEM((1,), jnp.float32),
                      pltpu.SMEM((1,), jnp.float32)],
  )(out_q, cnt_col, lap_pe, target_embedding,
    z, pe_W, pred_W, pred_b.reshape(1, D))

  return loss[0, 0]

# --- scband reference (transcript-rebuilt; emitter-appended) ---
"""Pipeline reference for scband-mp-jepa-41669772706560 (READ-ONLY COPY).

The authoritative reference and input builder live on the scoring server;
editing this copy changes nothing except your own understanding.
"""

import jax, jax.numpy as jnp
import numpy as np

N = 10000
E = 320000
D = 128
ZD = 64
PE = 8
T = 1024


def setup_inputs(seed: int = 0) -> dict:
    key = jax.random.key(seed)
    ks = jax.random.split(key, 10)
    lap_pe = jax.random.normal(ks[0], (N, PE), dtype=jnp.float32)
    edge_index = jax.random.randint(ks[1], (2, E), 0, N, dtype=jnp.int32)
    context_embedding = jax.random.normal(ks[2], (N, D), dtype=jnp.float32)
    target_embedding = jax.random.normal(ks[3], (N, D), dtype=jnp.float32)
    target_nodes = jax.random.randint(ks[4], (T,), 0, N, dtype=jnp.int32)
    # learned params
    z = jax.random.normal(ks[5], (1, ZD), dtype=jnp.float32) * 0.1  # nn.Parameter(1, z_dim), xavier-ish
    pe_W = jax.random.normal(ks[6], (PE, ZD), dtype=jnp.float32) * (1.0 / np.sqrt(PE))  # pe_projector (no bias)
    pred_W = jax.random.normal(ks[7], (D + 2 * ZD, D), dtype=jnp.float32) * (1.0 / np.sqrt(D + 2 * ZD))  # predictor Linear(256 -> 128)
    pred_b = jnp.zeros((D,), dtype=jnp.float32)
    return {
        'lap_pe': lap_pe,
        'edge_index': edge_index,
        'context_embedding': context_embedding,
        'target_embedding': target_embedding,
        'target_nodes': target_nodes,
        'z': z,
        'pe_W': pe_W,
        'pred_W': pred_W,
        'pred_b': pred_b,
    }


def reference(lap_pe, edge_index, context_embedding, target_embedding, target_nodes, z, pe_W, pred_W, pred_b):
    # position_encoding = pe_projector(data.laplacian_eigenvector_pe)
    position_encoding = lap_pe @ pe_W  # [N, ZD]
    # get_khop_subgraph: keep edges whose source is one of the target nodes,
    # mapped back to original node ids (net effect of k_hop_subgraph + source mask + subset remap)
    src = edge_index[0]
    dst = edge_index[1]
    mask = jnp.isin(src, target_nodes)
    mask_f = mask.astype(jnp.float32)
    tgt_e = src   # new_edge_index[0] -> target nodes per edge (all edges; mask applied as weights)
    ctx_e = dst   # new_edge_index[1] -> context nodes per edge (all edges; mask applied as weights)
    # z broadcast + PE gathers
    z_ctx_pe = z + position_encoding[ctx_e]
    z_tgt_pe = z + position_encoding[tgt_e]
    context_embedding_aggregate = jnp.concatenate(
        [context_embedding[ctx_e], z_ctx_pe, z_tgt_pe], axis=1)  # [E, D + 2*ZD]
    predictions = context_embedding_aggregate @ pred_W + pred_b  # predictor
    # MeanAggregation over target_nodes index (masked edges contribute exact zeros)
    sums = jax.ops.segment_sum(predictions * mask_f[:, None], tgt_e, num_segments=N)
    cnt = jax.ops.segment_sum(mask_f, tgt_e, num_segments=N)
    aggr_pred = sums / jnp.clip(cnt, 1.0)[:, None]
    present = (cnt > 0).astype(jnp.float32)  # [N], 1.0 for nodes in unique(tgt_e)
    # criterion = MSELoss
    diff = (aggr_pred - target_embedding) * present[:, None]
    loss = jnp.sum(diff * diff) / (jnp.sum(present) * jnp.float32(D))
    return loss

if __name__ == "__main__":
    import jax
    _d = setup_inputs()
    print(jax.jit(kernel)(*tuple(_d.values())))

</pallas_src>

<mosaic_0001>
#map = affine_map<(d0, d1) -> (0, 0, 0)>
#map1 = affine_map<(d0, d1) -> (0, 0)>
#map2 = affine_map<(d0, d1) -> (0)>
module attributes {stable_mosaic.version = 14 : i64} {
  func.func @_sc_aggregate_body(%arg0: i32, %arg1: i32, %arg2: memref<2x16x20480xi32, #tpu.memory_space<hbm>>, %arg3: memref<10000x128xf32, #tpu.memory_space<hbm>>, %arg4: memref<1024xi32, #tpu.memory_space<hbm>>, %arg5: memref<320x128xf32, #tpu.memory_space<hbm>>, %arg6: memref<10016xi32, #tpu.memory_space<hbm>>, %arg7: memref<2x5120x128xf32, #tpu.memory_space<hbm>>, %arg8: memref<2x40x128xf32, #tpu.memory_space<hbm>>, %arg9: memref<20608xi32, #tpu.memory_space<vmem>>, %arg10: memref<20608xi32, #tpu.memory_space<vmem>>, %arg11: memref<10016xi32, #tpu.memory_space<vmem>>, %arg12: memref<2x128x128xf32, #tpu.memory_space<vmem>>, %arg13: memref<40x128xf32, #tpu.memory_space<vmem>>, %arg14: memref<1x40xi32, #tpu.memory_space<vmem>>, %arg15: memref<2x128xi32, #tpu.memory_space<vmem>>, %arg16: memref<2x!tpu.dma_semaphore, #tpu.memory_space<semaphore_mem>>, %arg17: memref<2x!tpu.dma_semaphore, #tpu.memory_space<semaphore_mem>>, %arg18: memref<5120x128xf32, #tpu.memory_space<vmem_shared>>, %arg19: memref<40x128xf32, #tpu.memory_space<vmem_shared>>) attributes {dimension_semantics = [#tpu.dimension_semantics<core_parallel>, #tpu.dimension_semantics<subcore_parallel>], iteration_bounds = array<i64: 2, 16>, scalar_prefetch = 0 : i64, scratch_operands = 11 : i64, tpu.core_type = #tpu.core_type<sc_vector_subcore>, window_params = [{transform_indices = #map}, {transform_indices = #map1}, {transform_indices = #map2}, {transform_indices = #map1}, {transform_indices = #map2}, {transform_indices = #map}, {transform_indices = #map}]} {
    %mul3A = arith.constant 5000 : i32
    %mul3A_0 = arith.muli %arg0, %mul3A : i32
    %broadcast_in_dim3A = arith.constant 1 : i32
    %broadcast_in_dim3A_1 = vector.broadcast %broadcast_in_dim3A : i32 to vector<16xi32>
    %broadcast_in_dim3A_2 = arith.constant 1.000000e+00 : f32
    %broadcast_in_dim3A_3 = vector.broadcast %broadcast_in_dim3A_2 : f32 to vector<16xf32>
    %iota3A = tpu.iota {dimensions = array<i32: 0>} : vector<16xi32>
    %swap3A = arith.constant 0 : i32
    %swap3A_4 = arith.index_cast %swap3A : i32 to index
    %swap3A_5 = arith.constant 0 : index
    %swap3A_6 = tpu.vector_load %arg14[%swap3A_4, %swap3A_5] {strides = array<i32>} : memref<1x40xi32, #tpu.memory_space<vmem>>, vector<16xi32>,
    tpu.vector_store %arg14[%swap3A_4, %swap3A_5], %iota3A {strides = array<i32>} : memref<1x40xi32, #tpu.memory_space<vmem>>, vector<16xi32>,
    %add3A = arith.constant 16 : i32
    %add3A_7 = vector.broadcast %add3A : i32 to vector<16xi32>
    %add3A_8 = arith.addi %iota3A, %add3A_7 : vector<16xi32>
    %swap3A_9 = arith.constant 0 : i32
    %swap3A_10 = arith.index_cast %swap3A_9 : i32 to index
    %swap3A_11 = arith.constant 16 : index
    %swap3A_12 = tpu.vector_load %arg14[%swap3A_10, %swap3A_11] {strides = array<i32>} : memref<1x40xi32, #tpu.memory_space<vmem>>, vector<16xi32>,
    tpu.vector_store %arg14[%swap3A_10, %swap3A_11], %add3A_8 {strides = array<i32>} : memref<1x40xi32, #tpu.memory_space<vmem>>, vector<16xi32>,
    %add3A_13 = arith.constant 24 : i32
    %add3A_14 = vector.broadcast %add3A_13 : i32 to vector<16xi32>
    %add3A_15 = arith.addi %iota3A, %add3A_14 : vector<16xi32>
    %swap3A_16 = arith.constant 0 : i32
    %swap3A_17 = arith.index_cast %swap3A_16 : i32 to index
    %swap3A_18 = arith.constant 24 : index
    %swap3A_19 = tpu.vector_load %arg14[%swap3A_17, %swap3A_18] {strides = array<i32>} : memref<1x40xi32, #tpu.memory_space<vmem>>, vector<16xi32>,
    tpu.vector_store %arg14[%swap3A_17, %swap3A_18], %add3A_15 {strides = array<i32>} : memref<1x40xi32, #tpu.memory_space<vmem>>, vector<16xi32>,
    %mul3A_20 = arith.constant 320 : i32
    %mul3A_21 = arith.muli %arg1, %mul3A_20 : i32
    "tpu.region"() ({
      %run_scoped3A_255 = tpu.sem_alloc : memref<!tpu.dma_semaphore, #tpu.memory_space<semaphore_mem>>
      %dma_start3A = arith.constant 0 : i32
      %dma_start3A_256 = tpu.memref_slice %arg18[%mul3A_21, %dma_start3A] : memref<5120x128xf32, #tpu.memory_space<vmem_shared>> -> memref<320x128xf32, #tpu.memory_space<vmem_shared>>
      tpu.enqueue_dma source(%arg5 : memref<320x128xf32, #tpu.memory_space<hbm>>) target(%dma_start3A_256 : memref<320x128xf32, #tpu.memory_space<vmem_shared>>) target_semaphore(%run_scoped3A_255 : memref<!tpu.dma_semaphore, #tpu.memory_space<semaphore_mem>>)
      %dma_start3A_257 = arith.constant 0 : i32
      %dma_start3A_258 = arith.constant 0 : i32
      %dma_start3A_259 = tpu.memref_slice %arg5[%dma_start3A_257, %dma_start3A_258] : memref<320x128xf32, #tpu.memory_space<hbm>> -> memref<40x128xf32, #tpu.memory_space<hbm>>
      %dma_start3A_260 = arith.constant 0 : i32
      %dma_start3A_261 = arith.constant 0 : i32
      %dma_start3A_262 = tpu.memref_slice %arg5[%dma_start3A_260, %dma_start3A_261] : memref<320x128xf32, #tpu.memory_space<hbm>> -> memref<40x128xf32, #tpu.memory_space<hbm>>
      tpu.enqueue_dma source(%dma_start3A_262 : memref<40x128xf32, #tpu.memory_space<hbm>>) target(%arg13 : memref<40x128xf32, #tpu.memory_space<vmem>>) target_semaphore(%run_scoped3A_255 : memref<!tpu.dma_semaphore, #tpu.memory_space<semaphore_mem>>)
      tpu.enqueue_dma source(%arg6 : memref<10016xi32, #tpu.memory_space<hbm>>) target(%arg11 : memref<10016xi32, #tpu.memory_space<vmem>>) target_semaphore(%run_scoped3A_255 : memref<!tpu.dma_semaphore, #tpu.memory_space<semaphore_mem>>)
      %dma_wait3A = arith.constant 0 : i32
      %dma_wait3A_263 = tpu.memref_slice %arg18[%mul3A_21, %dma_wait3A] : memref<5120x128xf32, #tpu.memory_space<vmem_shared>> -> memref<320x128xf32, #tpu.memory_space<vmem_shared>>
      tpu.wait_dma2 semaphore(%run_scoped3A_255 : memref<!tpu.dma_semaphore, #tpu.memory_space<semaphore_mem>>) src(%arg5 : memref<320x128xf32, #tpu.memory_space<hbm>>) dst(%dma_wait3A_263 : memref<320x128xf32, #tpu.memory_space<vmem_shared>>)
      %dma_wait3A_264 = arith.constant 0 : i32
      %dma_wait3A_265 = arith.constant 0 : i32
      %dma_wait3A_266 = tpu.memref_slice %arg5[%dma_wait3A_264, %dma_wait3A_265] : memref<320x128xf32, #tpu.memory_space<hbm>> -> memref<40x128xf32, #tpu.memory_space<hbm>>
      %dma_wait3A_267 = arith.constant 0 : i32
      %dma_wait3A_268 = arith.constant 0 : i32
      %dma_wait3A_269 = tpu.memref_slice %arg5[%dma_wait3A_267, %dma_wait3A_268] : memref<320x128xf32, #tpu.memory_space<hbm>> -> memref<40x128xf32, #tpu.memory_space<hbm>>
      tpu.wait_dma2 semaphore(%run_scoped3A_255 : memref<!tpu.dma_semaphore, #tpu.memory_space<semaphore_mem>>) src(%dma_wait3A_269 : memref<40x128xf32, #tpu.memory_space<hbm>>) dst(%arg13 : memref<40x128xf32, #tpu.memory_space<vmem>>)
      tpu.wait_dma2 semaphore(%run_scoped3A_255 : memref<!tpu.dma_semaphore, #tpu.memory_space<semaphore_mem>>) src(%arg6 : memref<10016xi32, #tpu.memory_space<hbm>>) dst(%arg11 : memref<10016xi32, #tpu.memory_space<vmem>>)
      tpu.yield
    }) : () -> ()
    %eq3A = arith.constant 0 : i32
    %eq3A_22 = arith.cmpi eq, %arg1, %eq3A : i32
    %convert_element_type3A = arith.extui %eq3A_22 : i1 to i32
    %cond3A = arith.constant 0 : i32
    %cond3A_23 = arith.cmpi ne, %convert_element_type3A, %cond3A : i32
    scf.if %cond3A_23 {
      "tpu.region"() ({
        %run_scoped3A_255 = tpu.sem_alloc : memref<!tpu.dma_semaphore, #tpu.memory_space<semaphore_mem>>
        %dma_start3A = arith.constant 0 : i32
        %dma_start3A_256 = arith.constant 0 : i32
        %dma_start3A_257 = tpu.memref_slice %arg5[%dma_start3A, %dma_start3A_256] : memref<320x128xf32, #tpu.memory_space<hbm>> -> memref<40x128xf32, #tpu.memory_space<hbm>>
        tpu.enqueue_dma source(%dma_start3A_257 : memref<40x128xf32, #tpu.memory_space<hbm>>) target(%arg19 : memref<40x128xf32, #tpu.memory_space<vmem_shared>>) target_semaphore(%run_scoped3A_255 : memref<!tpu.dma_semaphore, #tpu.memory_space<semaphore_mem>>)
        %dma_wait3A = arith.constant 0 : i32
        %dma_wait3A_258 = arith.constant 0 : i32
        %dma_wait3A_259 = tpu.memref_slice %arg5[%dma_wait3A, %dma_wait3A_258] : memref<320x128xf32, #tpu.memory_space<hbm>> -> memref<40x128xf32, #tpu.memory_space<hbm>>
        tpu.wait_dma2 semaphore(%run_scoped3A_255 : memref<!tpu.dma_semaphore, #tpu.memory_space<semaphore_mem>>) src(%dma_wait3A_259 : memref<40x128xf32, #tpu.memory_space<hbm>>) dst(%arg19 : memref<40x128xf32, #tpu.memory_space<vmem_shared>>)
        tpu.yield
      }) : () -> ()
    } else {
    }
    "tpu.region"() ({
      %run_scoped3A_255 = tpu.sem_alloc : memref<!tpu.dma_semaphore, #tpu.memory_space<semaphore_mem>>
      %dma_start3A = arith.constant 0 : i32
      %dma_start3A_256 = tpu.memref_slice %arg9[%dma_start3A] : memref<20608xi32, #tpu.memory_space<vmem>> -> memref<1024xi32, #tpu.memory_space<vmem>>
      %dma_start3A_257 = arith.constant 0 : i32
      %dma_start3A_258 = tpu.memref_slice %arg9[%dma_start3A_257] : memref<20608xi32, #tpu.memory_space<vmem>> -> memref<1024xi32, #tpu.memory_space<vmem>>
      tpu.enqueue_dma source(%arg4 : memref<1024xi32, #tpu.memory_space<hbm>>) target(%dma_start3A_258 : memref<1024xi32, #tpu.memory_space<vmem>>) target_semaphore(%run_scoped3A_255 : memref<!tpu.dma_semaphore, #tpu.memory_space<semaphore_mem>>)
      %dma_wait3A = arith.constant 0 : i32
      %dma_wait3A_259 = tpu.memref_slice %arg9[%dma_wait3A] : memref<20608xi32, #tpu.memory_space<vmem>> -> memref<1024xi32, #tpu.memory_space<vmem>>
      %dma_wait3A_260 = arith.constant 0 : i32
      %dma_wait3A_261 = tpu.memref_slice %arg9[%dma_wait3A_260] : memref<20608xi32, #tpu.memory_space<vmem>> -> memref<1024xi32, #tpu.memory_space<vmem>>
      tpu.wait_dma2 semaphore(%run_scoped3A_255 : memref<!tpu.dma_semaphore, #tpu.memory_space<semaphore_mem>>) src(%arg4 : memref<1024xi32, #tpu.memory_space<hbm>>) dst(%dma_wait3A_261 : memref<1024xi32, #tpu.memory_space<vmem>>)
      tpu.yield
    }) : () -> ()
    %get3A = arith.constant 0 : index
    %get3A_24 = tpu.vector_load %arg9[%get3A] {strides = array<i32>} : memref<20608xi32, #tpu.memory_space<vmem>>, vector<16xi32>,
    tpu.vector_store_idx %arg11[%get3A_24], %broadcast_in_dim3A_1 : memref<10016xi32, #tpu.memory_space<vmem>>[vector<16xi32>], vector<16xi32>,
    %get3A_25 = arith.constant 16 : index
    %get3A_26 = tpu.vector_load %arg9[%get3A_25] {strides = array<i32>} : memref<20608xi32, #tpu.memory_space<vmem>>, vector<16xi32>,
    tpu.vector_store_idx %arg11[%get3A_26], %broadcast_in_dim3A_1 : memref<10016xi32, #tpu.memory_space<vmem>>[vector<16xi32>], vector<16xi32>,
    %get3A_27 = arith.constant 32 : index
    %get3A_28 = tpu.vector_load %arg9[%get3A_27] {strides = array<i32>} : memref<20608xi32, #tpu.memory_space<vmem>>, vector<16xi32>,
    tpu.vector_store_idx %arg11[%get3A_28], %broadcast_in_dim3A_1 : memref<10016xi32, #tpu.memory_space<vmem>>[vector<16xi32>], vector<16xi32>,
    %get3A_29 = arith.constant 48 : index
    %get3A_30 = tpu.vector_load %arg9[%get3A_29] {strides = array<i32>} : memref<20608xi32, #tpu.memory_space<vmem>>, vector<16xi32>,
    tpu.vector_store_idx %arg11[%get3A_30], %broadcast_in_dim3A_1 : memref<10016xi32, #tpu.memory_space<vmem>>[vector<16xi32>], vector<16xi32>,
    %get3A_31 = arith.constant 64 : index
    %get3A_32 = tpu.vector_load %arg9[%get3A_31] {strides = array<i32>} : memref<20608xi32, #tpu.memory_space<vmem>>, vector<16xi32>,
    tpu.vector_store_idx %arg11[%get3A_32], %broadcast_in_dim3A_1 : memref<10016xi32, #tpu.memory_space<vmem>>[vector<16xi32>], vector<16xi32>,
    %get3A_33 = arith.constant 80 : index
    %get3A_34 = tpu.vector_load %arg9[%get3A_33] {strides = array<i32>} : memref<20608xi32, #tpu.memory_space<vmem>>, vector<16xi32>,
    tpu.vector_store_idx %arg11[%get3A_34], %broadcast_in_dim3A_1 : memref<10016xi32, #tpu.memory_space<vmem>>[vector<16xi32>], vector<16xi32>,
    %get3A_35 = arith.constant 96 : index
    %get3A_36 = tpu.vector_load %arg9[%get3A_35] {strides = array<i32>} : memref<20608xi32, #tpu.memory_space<vmem>>, vector<16xi32>,
    tpu.vector_store_idx %arg11[%get3A_36], %broadcast_in_dim3A_1 : memref<10016xi32, #tpu.memory_space<vmem>>[vector<16xi32>], vector<16xi32>,
    %get3A_37 = arith.constant 112 : index
    %get3A_38 = tpu.vector_load %arg9[%get3A_37] {strides = array<i32>} : memref<20608xi32, #tpu.memory_space<vmem>>, vector<16xi32>,
    tpu.vector_store_idx %arg11[%get3A_38], %broadcast_in_dim3A_1 : memref<10016xi32, #tpu.memory_space<vmem>>[vector<16xi32>], vector<16xi32>,
    %get3A_39 = arith.constant 128 : index
    %get3A_40 = tpu.vector_load %arg9[%get3A_39] {strides = array<i32>} : memref<20608xi32, #tpu.memory_space<vmem>>, vector<16xi32>,
    tpu.vector_store_idx %arg11[%get3A_40], %broadcast_in_dim3A_1 : memref<10016xi32, #tpu.memory_space<vmem>>[vector<16xi32>], vector<16xi32>,
    %get3A_41 = arith.constant 144 : index
    %get3A_42 = tpu.vector_load %arg9[%get3A_41] {strides = array<i32>} : memref<20608xi32, #tpu.memory_space<vmem>>, vector<16xi32>,
    tpu.vector_store_idx %arg11[%get3A_42], %broadcast_in_dim3A_1 : memref<10016xi32, #tpu.memory_space<vmem>>[vector<16xi32>], vector<16xi32>,
    %get3A_43 = arith.constant 160 : index
    %get3A_44 = tpu.vector_load %arg9[%get3A_43] {strides = array<i32>} : memref<20608xi32, #tpu.memory_space<vmem>>, vector<16xi32>,
    tpu.vector_store_idx %arg11[%get3A_44], %broadcast_in_dim3A_1 : memref<10016xi32, #tpu.memory_space<vmem>>[vector<16xi32>], vector<16xi32>,
    %get3A_45 = arith.constant 176 : index
    %get3A_46 = tpu.vector_load %arg9[%get3A_45] {strides = array<i32>} : memref<20608xi32, #tpu.memory_space<vmem>>, vector<16xi32>,
    tpu.vector_store_idx %arg11[%get3A_46], %broadcast_in_dim3A_1 : memref<10016xi32, #tpu.memory_space<vmem>>[vector<16xi32>], vector<16xi32>,
    %get3A_47 = arith.constant 192 : index
    %get3A_48 = tpu.vector_load %arg9[%get3A_47] {strides = array<i32>} : memref<20608xi32, #tpu.memory_space<vmem>>, vector<16xi32>,
    tpu.vector_store_idx %arg11[%get3A_48], %broadcast_in_dim3A_1 : memref<10016xi32, #tpu.memory_space<vmem>>[vector<16xi32>], vector<16xi32>,
    %get3A_49 = arith.constant 208 : index
    %get3A_50 = tpu.vector_load %arg9[%get3A_49] {strides = array<i32>} : memref<20608xi32, #tpu.memory_space<vmem>>, vector<16xi32>,
    tpu.vector_store_idx %arg11[%get3A_50], %broadcast_in_dim3A_1 : memref<10016xi32, #tpu.memory_space<vmem>>[vector<16xi32>], vector<16xi32>,
    %get3A_51 = arith.constant 224 : index
    %get3A_52 = tpu.vector_load %arg9[%get3A_51] {strides = array<i32>} : memref<20608xi32, #tpu.memory_space<vmem>>, vector<16xi32>,
    tpu.vector_store_idx %arg11[%get3A_52], %broadcast_in_dim3A_1 : memref<10016xi32, #tpu.memory_space<vmem>>[vector<16xi32>], vector<16xi32>,
    %get3A_53 = arith.constant 240 : index
    %get3A_54 = tpu.vector_load %arg9[%get3A_53] {strides = array<i32>} : memref<20608xi32, #tpu.memory_space<vmem>>, vector<16xi32>,
    tpu.vector_store_idx %arg11[%get3A_54], %broadcast_in_dim3A_1 : memref<10016xi32, #tpu.memory_space<vmem>>[vector<16xi32>], vector<16xi32>,
    %get3A_55 = arith.constant 256 : index
    %get3A_56 = tpu.vector_load %arg9[%get3A_55] {strides = array<i32>} : memref<20608xi32, #tpu.memory_space<vmem>>, vector<16xi32>,
    tpu.vector_store_idx %arg11[%get3A_56], %broadcast_in_dim3A_1 : memref<10016xi32, #tpu.memory_space<vmem>>[vector<16xi32>], vector<16xi32>,
    %get3A_57 = arith.constant 272 : index
    %get3A_58 = tpu.vector_load %arg9[%get3A_57] {strides = array<i32>} : memref<20608xi32, #tpu.memory_space<vmem>>, vector<16xi32>,
    tpu.vector_store_idx %arg11[%get3A_58], %broadcast_in_dim3A_1 : memref<10016xi32, #tpu.memory_space<vmem>>[vector<16xi32>], vector<16xi32>,
    %get3A_59 = arith.constant 288 : index
    %get3A_60 = tpu.vector_load %arg9[%get3A_59] {strides = array<i32>} : memref<20608xi32, #tpu.memory_space<vmem>>, vector<16xi32>,
    tpu.vector_store_idx %arg11[%get3A_60], %broadcast_in_dim3A_1 : memref<10016xi32, #tpu.memory_space<vmem>>[vector<16xi32>], vector<16xi32>,
    %get3A_61 = arith.constant 304 : index
    %get3A_62 = tpu.vector_load %arg9[%get3A_61] {strides = array<i32>} : memref<20608xi32, #tpu.memory_space<vmem>>, vector<16xi32>,
    tpu.vector_store_idx %arg11[%get3A_62], %broadcast_in_dim3A_1 : memref<10016xi32, #tpu.memory_space<vmem>>[vector<16xi32>], vector<16xi32>,
    %get3A_63 = arith.constant 320 : index
    %get3A_64 = tpu.vector_load %arg9[%get3A_63] {strides = array<i32>} : memref<20608xi32, #tpu.memory_space<vmem>>, vector<16xi32>,
    tpu.vector_store_idx %arg11[%get3A_64], %broadcast_in_dim3A_1 : memref<10016xi32, #tpu.memory_space<vmem>>[vector<16xi32>], vector<16xi32>,
    %get3A_65 = arith.constant 336 : index
    %get3A_66 = tpu.vector_load %arg9[%get3A_65] {strides = array<i32>} : memref<20608xi32, #tpu.memory_space<vmem>>, vector<16xi32>,
    tpu.vector_store_idx %arg11[%get3A_66], %broadcast_in_dim3A_1 : memref<10016xi32, #tpu.memory_space<vmem>>[vector<16xi32>], vector<16xi32>,
    %get3A_67 = arith.constant 352 : index
    %get3A_68 = tpu.vector_load %arg9[%get3A_67] {strides = array<i32>} : memref<20608xi32, #tpu.memory_space<vmem>>, vector<16xi32>,
    tpu.vector_store_idx %arg11[%get3A_68], %broadcast_in_dim3A_1 : memref<10016xi32, #tpu.memory_space<vmem>>[vector<16xi32>], vector<16xi32>,
    %get3A_69 = arith.constant 368 : index
    %get3A_70 = tpu.vector_load %arg9[%get3A_69] {strides = array<i32>} : memref<20608xi32, #tpu.memory_space<vmem>>, vector<16xi32>,
    tpu.vector_store_idx %arg11[%get3A_70], %broadcast_in_dim3A_1 : memref<10016xi32, #tpu.memory_space<vmem>>[vector<16xi32>], vector<16xi32>,
    %get3A_71 = arith.constant 384 : index
    %get3A_72 = tpu.vector_load %arg9[%get3A_71] {strides = array<i32>} : memref<20608xi32, #tpu.memory_space<vmem>>, vector<16xi32>,
    tpu.vector_store_idx %arg11[%get3A_72], %broadcast_in_dim3A_1 : memref<10016xi32, #tpu.memory_space<vmem>>[vector<16xi32>], vector<16xi32>,
    %get3A_73 = arith.constant 400 : index
    %get3A_74 = tpu.vector_load %arg9[%get3A_73] {strides = array<i32>} : memref<20608xi32, #tpu.memory_space<vmem>>, vector<16xi32>,
    tpu.vector_store_idx %arg11[%get3A_74], %broadcast_in_dim3A_1 : memref<10016xi32, #tpu.memory_space<vmem>>[vector<16xi32>], vector<16xi32>,
    %get3A_75 = arith.constant 416 : index
    %get3A_76 = tpu.vector_load %arg9[%get3A_75] {strides = array<i32>} : memref<20608xi32, #tpu.memory_space<vmem>>, vector<16xi32>,
    tpu.vector_store_idx %arg11[%get3A_76], %broadcast_in_dim3A_1 : memref<10016xi32, #tpu.memory_space<vmem>>[vector<16xi32>], vector<16xi32>,
    %get3A_77 = arith.constant 432 : index
    %get3A_78 = tpu.vector_load %arg9[%get3A_77] {strides = array<i32>} : memref<20608xi32, #tpu.memory_space<vmem>>, vector<16xi32>,
    tpu.vector_store_idx %arg11[%get3A_78], %broadcast_in_dim3A_1 : memref<10016xi32, #tpu.memory_space<vmem>>[vector<16xi32>], vector<16xi32>,
    %get3A_79 = arith.constant 448 : index
    %get3A_80 = tpu.vector_load %arg9[%get3A_79] {strides = array<i32>} : memref<20608xi32, #tpu.memory_space<vmem>>, vector<16xi32>,
    tpu.vector_store_idx %arg11[%get3A_80], %broadcast_in_dim3A_1 : memref<10016xi32, #tpu.memory_space<vmem>>[vector<16xi32>], vector<16xi32>,
    %get3A_81 = arith.constant 464 : index
    %get3A_82 = tpu.vector_load %arg9[%get3A_81] {strides = array<i32>} : memref<20608xi32, #tpu.memory_space<vmem>>, vector<16xi32>,
    tpu.vector_store_idx %arg11[%get3A_82], %broadcast_in_dim3A_1 : memref<10016xi32, #tpu.memory_space<vmem>>[vector<16xi32>], vector<16xi32>,
    %get3A_83 = arith.constant 480 : index
    %get3A_84 = tpu.vector_load %arg9[%get3A_83] {strides = array<i32>} : memref<20608xi32, #tpu.memory_space<vmem>>, vector<16xi32>,
    tpu.vector_store_idx %arg11[%get3A_84], %broadcast_in_dim3A_1 : memref<10016xi32, #tpu.memory_space<vmem>>[vector<16xi32>], vector<16xi32>,
    %get3A_85 = arith.constant 496 : index
    %get3A_86 = tpu.vector_load %arg9[%get3A_85] {strides = array<i32>} : memref<20608xi32, #tpu.memory_space<vmem>>, vector<16xi32>,
    tpu.vector_store_idx %arg11[%get3A_86], %broadcast_in_dim3A_1 : memref<10016xi32, #tpu.memory_space<vmem>>[vector<16xi32>], vector<16xi32>,
    %get3A_87 = arith.constant 512 : index
    %get3A_88 = tpu.vector_load %arg9[%get3A_87] {strides = array<i32>} : memref<20608xi32, #tpu.memory_space<vmem>>, vector<16xi32>,
    tpu.vector_store_idx %arg11[%get3A_88], %broadcast_in_dim3A_1 : memref<10016xi32, #tpu.memory_space<vmem>>[vector<16xi32>], vector<16xi32>,
    %get3A_89 = arith.constant 528 : index
    %get3A_90 = tpu.vector_load %arg9[%get3A_89] {strides = array<i32>} : memref<20608xi32, #tpu.memory_space<vmem>>, vector<16xi32>,
    tpu.vector_store_idx %arg11[%get3A_90], %broadcast_in_dim3A_1 : memref<10016xi32, #tpu.memory_space<vmem>>[vector<16xi32>], vector<16xi32>,
    %get3A_91 = arith.constant 544 : index
    %get3A_92 = tpu.vector_load %arg9[%get3A_91] {strides = array<i32>} : memref<20608xi32, #tpu.memory_space<vmem>>, vector<16xi32>,
    tpu.vector_store_idx %arg11[%get3A_92], %broadcast_in_dim3A_1 : memref<10016xi32, #tpu.memory_space<vmem>>[vector<16xi32>], vector<16xi32>,
    %get3A_93 = arith.constant 560 : index
    %get3A_94 = tpu.vector_load %arg9[%get3A_93] {strides = array<i32>} : memref<20608xi32, #tpu.memory_space<vmem>>, vector<16xi32>,
    tpu.vector_store_idx %arg11[%get3A_94], %broadcast_in_dim3A_1 : memref<10016xi32, #tpu.memory_space<vmem>>[vector<16xi32>], vector<16xi32>,
    %get3A_95 = arith.constant 576 : index
    %get3A_96 = tpu.vector_load %arg9[%get3A_95] {strides = array<i32>} : memref<20608xi32, #tpu.memory_space<vmem>>, vector<16xi32>,
    tpu.vector_store_idx %arg11[%get3A_96], %broadcast_in_dim3A_1 : memref<10016xi32, #tpu.memory_space<vmem>>[vector<16xi32>], vector<16xi32>,
    %get3A_97 = arith.constant 592 : index
    %get3A_98 = tpu.vector_load %arg9[%get3A_97] {strides = array<i32>} : memref<20608xi32, #tpu.memory_space<vmem>>, vector<16xi32>,
    tpu.vector_store_idx %arg11[%get3A_98], %broadcast_in_dim3A_1 : memref<10016xi32, #tpu.memory_space<vmem>>[vector<16xi32>], vector<16xi32>,
    %get3A_99 = arith.constant 608 : index
    %get3A_100 = tpu.vector_load %arg9[%get3A_99] {strides = array<i32>} : memref<20608xi32, #tpu.memory_space<vmem>>, vector<16xi32>,
    tpu.vector_store_idx %arg11[%get3A_100], %broadcast_in_dim3A_1 : memref<10016xi32, #tpu.memory_space<vmem>>[vector<16xi32>], vector<16xi32>,
    %get3A_101 = arith.constant 624 : index
    %get3A_102 = tpu.vector_load %arg9[%get3A_101] {strides = array<i32>} : memref<20608xi32, #tpu.memory_space<vmem>>, vector<16xi32>,
    tpu.vector_store_idx %arg11[%get3A_102], %broadcast_in_dim3A_1 : memref<10016xi32, #tpu.memory_space<vmem>>[vector<16xi32>], vector<16xi32>,
    %get3A_103 = arith.constant 640 : index
    %get3A_104 = tpu.vector_load %arg9[%get3A_103] {strides = array<i32>} : memref<20608xi32, #tpu.memory_space<vmem>>, vector<16xi32>,
    tpu.vector_store_idx %arg11[%get3A_104], %broadcast_in_dim3A_1 : memref<10016xi32, #tpu.memory_space<vmem>>[vector<16xi32>], vector<16xi32>,
    %get3A_105 = arith.constant 656 : index
    %get3A_106 = tpu.vector_load %arg9[%get3A_105] {strides = array<i32>} : memref<20608xi32, #tpu.memory_space<vmem>>, vector<16xi32>,
    tpu.vector_store_idx %arg11[%get3A_106], %broadcast_in_dim3A_1 : memref<10016xi32, #tpu.memory_space<vmem>>[vector<16xi32>], vector<16xi32>,
    %get3A_107 = arith.constant 672 : index
    %get3A_108 = tpu.vector_load %arg9[%get3A_107] {strides = array<i32>} : memref<20608xi32, #tpu.memory_space<vmem>>, vector<16xi32>,
    tpu.vector_store_idx %arg11[%get3A_108], %broadcast_in_dim3A_1 : memref<10016xi32, #tpu.memory_space<vmem>>[vector<16xi32>], vector<16xi32>,
    %get3A_109 = arith.constant 688 : index
    %get3A_110 = tpu.vector_load %arg9[%get3A_109] {strides = array<i32>} : memref<20608xi32, #tpu.memory_space<vmem>>, vector<16xi32>,
    tpu.vector_store_idx %arg11[%get3A_110], %broadcast_in_dim3A_1 : memref<10016xi32, #tpu.memory_space<vmem>>[vector<16xi32>], vector<16xi32>,
    %get3A_111 = arith.constant 704 : index
    %get3A_112 = tpu.vector_load %arg9[%get3A_111] {strides = array<i32>} : memref<20608xi32, #tpu.memory_space<vmem>>, vector<16xi32>,
    tpu.vector_store_idx %arg11[%get3A_112], %broadcast_in_dim3A_1 : memref<10016xi32, #tpu.memory_space<vmem>>[vector<16xi32>], vector<16xi32>,
    %get3A_113 = arith.constant 720 : index
    %get3A_114 = tpu.vector_load %arg9[%get3A_113] {strides = array<i32>} : memref<20608xi32, #tpu.memory_space<vmem>>, vector<16xi32>,
    tpu.vector_store_idx %arg11[%get3A_114], %broadcast_in_dim3A_1 : memref<10016xi32, #tpu.memory_space<vmem>>[vector<16xi32>], vector<16xi32>,
    %get3A_115 = arith.constant 736 : index
    %get3A_116 = tpu.vector_load %arg9[%get3A_115] {strides = array<i32>} : memref<20608xi32, #tpu.memory_space<vmem>>, vector<16xi32>,
    tpu.vector_store_idx %arg11[%get3A_116], %broadcast_in_dim3A_1 : memref<10016xi32, #tpu.memory_space<vmem>>[vector<16xi32>], vector<16xi32>,
    %get3A_117 = arith.constant 752 : index
    %get3A_118 = tpu.vector_load %arg9[%get3A_117] {strides = array<i32>} : memref<20608xi32, #tpu.memory_space<vmem>>, vector<16xi32>,
    tpu.vector_store_idx %arg11[%get3A_118], %broadcast_in_dim3A_1 : memref<10016xi32, #tpu.memory_space<vmem>>[vector<16xi32>], vector<16xi32>,
    %get3A_119 = arith.constant 768 : index
    %get3A_120 = tpu.vector_load %arg9[%get3A_119] {strides = array<i32>} : memref<20608xi32, #tpu.memory_space<vmem>>, vector<16xi32>,
    tpu.vector_store_idx %arg11[%get3A_120], %broadcast_in_dim3A_1 : memref<10016xi32, #tpu.memory_space<vmem>>[vector<16xi32>], vector<16xi32>,
    %get3A_121 = arith.constant 784 : index
    %get3A_122 = tpu.vector_load %arg9[%get3A_121] {strides = array<i32>} : memref<20608xi32, #tpu.memory_space<vmem>>, vector<16xi32>,
    tpu.vector_store_idx %arg11[%get3A_122], %broadcast_in_dim3A_1 : memref<10016xi32, #tpu.memory_space<vmem>>[vector<16xi32>], vector<16xi32>,
    %get3A_123 = arith.constant 800 : index
    %get3A_124 = tpu.vector_load %arg9[%get3A_123] {strides = array<i32>} : memref<20608xi32, #tpu.memory_space<vmem>>, vector<16xi32>,
    tpu.vector_store_idx %arg11[%get3A_124], %broadcast_in_dim3A_1 : memref<10016xi32, #tpu.memory_space<vmem>>[vector<16xi32>], vector<16xi32>,
    %get3A_125 = arith.constant 816 : index
    %get3A_126 = tpu.vector_load %arg9[%get3A_125] {strides = array<i32>} : memref<20608xi32, #tpu.memory_space<vmem>>, vector<16xi32>,
    tpu.vector_store_idx %arg11[%get3A_126], %broadcast_in_dim3A_1 : memref<10016xi32, #tpu.memory_space<vmem>>[vector<16xi32>], vector<16xi32>,
    %get3A_127 = arith.constant 832 : index
    %get3A_128 = tpu.vector_load %arg9[%get3A_127] {strides = array<i32>} : memref<20608xi32, #tpu.memory_space<vmem>>, vector<16xi32>,
    tpu.vector_store_idx %arg11[%get3A_128], %broadcast_in_dim3A_1 : memref<10016xi32, #tpu.memory_space<vmem>>[vector<16xi32>], vector<16xi32>,
    %get3A_129 = arith.constant 848 : index
    %get3A_130 = tpu.vector_load %arg9[%get3A_129] {strides = array<i32>} : memref<20608xi32, #tpu.memory_space<vmem>>, vector<16xi32>,
    tpu.vector_store_idx %arg11[%get3A_130], %broadcast_in_dim3A_1 : memref<10016xi32, #tpu.memory_space<vmem>>[vector<16xi32>], vector<16xi32>,
    %get3A_131 = arith.constant 864 : index
    %get3A_132 = tpu.vector_load %arg9[%get3A_131] {strides = array<i32>} : memref<20608xi32, #tpu.memory_space<vmem>>, vector<16xi32>,
    tpu.vector_store_idx %arg11[%get3A_132], %broadcast_in_dim3A_1 : memref<10016xi32, #tpu.memory_space<vmem>>[vector<16xi32>], vector<16xi32>,
    %get3A_133 = arith.constant 880 : index
    %get3A_134 = tpu.vector_load %arg9[%get3A_133] {strides = array<i32>} : memref<20608xi32, #tpu.memory_space<vmem>>, vector<16xi32>,
    tpu.vector_store_idx %arg11[%get3A_134], %broadcast_in_dim3A_1 : memref<10016xi32, #tpu.memory_space<vmem>>[vector<16xi32>], vector<16xi32>,
    %get3A_135 = arith.constant 896 : index
    %get3A_136 = tpu.vector_load %arg9[%get3A_135] {strides = array<i32>} : memref<20608xi32, #tpu.memory_space<vmem>>, vector<16xi32>,
    tpu.vector_store_idx %arg11[%get3A_136], %broadcast_in_dim3A_1 : memref<10016xi32, #tpu.memory_space<vmem>>[vector<16xi32>], vector<16xi32>,
    %get3A_137 = arith.constant 912 : index
    %get3A_138 = tpu.vector_load %arg9[%get3A_137] {strides = array<i32>} : memref<20608xi32, #tpu.memory_space<vmem>>, vector<16xi32>,
    tpu.vector_store_idx %arg11[%get3A_138], %broadcast_in_dim3A_1 : memref<10016xi32, #tpu.memory_space<vmem>>[vector<16xi32>], vector<16xi32>,
    %get3A_139 = arith.constant 928 : index
    %get3A_140 = tpu.vector_load %arg9[%get3A_139] {strides = array<i32>} : memref<20608xi32, #tpu.memory_space<vmem>>, vector<16xi32>,
    tpu.vector_store_idx %arg11[%get3A_140], %broadcast_in_dim3A_1 : memref<10016xi32, #tpu.memory_space<vmem>>[vector<16xi32>], vector<16xi32>,
    %get3A_141 = arith.constant 944 : index
    %get3A_142 = tpu.vector_load %arg9[%get3A_141] {strides = array<i32>} : memref<20608xi32, #tpu.memory_space<vmem>>, vector<16xi32>,
    tpu.vector_store_idx %arg11[%get3A_142], %broadcast_in_dim3A_1 : memref<10016xi32, #tpu.memory_space<vmem>>[vector<16xi32>], vector<16xi32>,
    %get3A_143 = arith.constant 960 : index
    %get3A_144 = tpu.vector_load %arg9[%get3A_143] {strides = array<i32>} : memref<20608xi32, #tpu.memory_space<vmem>>, vector<16xi32>,
    tpu.vector_store_idx %arg11[%get3A_144], %broadcast_in_dim3A_1 : memref<10016xi32, #tpu.memory_space<vmem>>[vector<16xi32>], vector<16xi32>,
    %get3A_145 = arith.constant 976 : index
    %get3A_146 = tpu.vector_load %arg9[%get3A_145] {strides = array<i32>} : memref<20608xi32, #tpu.memory_space<vmem>>, vector<16xi32>,
    tpu.vector_store_idx %arg11[%get3A_146], %broadcast_in_dim3A_1 : memref<10016xi32, #tpu.memory_space<vmem>>[vector<16xi32>], vector<16xi32>,
    %get3A_147 = arith.constant 992 : index
    %get3A_148 = tpu.vector_load %arg9[%get3A_147] {strides = array<i32>} : memref<20608xi32, #tpu.memory_space<vmem>>, vector<16xi32>,
    tpu.vector_store_idx %arg11[%get3A_148], %broadcast_in_dim3A_1 : memref<10016xi32, #tpu.memory_space<vmem>>[vector<16xi32>], vector<16xi32>,
    %get3A_149 = arith.constant 1008 : index
    %get3A_150 = tpu.vector_load %arg9[%get3A_149] {strides = array<i32>} : memref<20608xi32, #tpu.memory_space<vmem>>, vector<16xi32>,
    tpu.vector_store_idx %arg11[%get3A_150], %broadcast_in_dim3A_1 : memref<10016xi32, #tpu.memory_space<vmem>>[vector<16xi32>], vector<16xi32>,
    %run_scoped3A = arith.constant 0 : i32
    %run_scoped3A_151 = arith.constant 1 : i32
    "tpu.region"() ({
      %run_scoped3A_255 = tpu.sem_alloc : memref<!tpu.dma_semaphore, #tpu.memory_space<semaphore_mem>>
      %dma_start3A = arith.constant 0 : i32
      %dma_start3A_256 = tpu.memref_slice %arg9[%dma_start3A] : memref<20608xi32, #tpu.memory_space<vmem>> -> memref<20480xi32, #tpu.memory_space<vmem>>
      %dma_start3A_257 = arith.constant 0 : i32
      %dma_start3A_258 = tpu.memref_slice %arg2[%run_scoped3A, %arg1, %dma_start3A_257] : memref<2x16x20480xi32, #tpu.memory_space<hbm>> -> memref<1x1x20480xi32, #tpu.memory_space<hbm>>
      %dma_start3A_259 = tpu.memref_squeeze %dma_start3A_258 : memref<1x1x20480xi32, #tpu.memory_space<hbm>> -> memref<20480xi32, #tpu.memory_space<hbm>>
      %dma_start3A_260 = arith.constant 0 : i32
      %dma_start3A_261 = tpu.memref_slice %arg9[%dma_start3A_260] : memref<20608xi32, #tpu.memory_space<vmem>> -> memref<20480xi32, #tpu.memory_space<vmem>>
      %dma_start3A_262 = arith.constant 0 : i32
      %dma_start3A_263 = tpu.memref_slice %arg2[%run_scoped3A, %arg1, %dma_start3A_262] : memref<2x16x20480xi32, #tpu.memory_space<hbm>> -> memref<1x1x20480xi32, #tpu.memory_space<hbm>>
      %dma_start3A_264 = tpu.memref_squeeze %dma_start3A_263 : memref<1x1x20480xi32, #tpu.memory_space<hbm>> -> memref<20480xi32, #tpu.memory_space<hbm>>
      tpu.enqueue_dma source(%dma_start3A_264 : memref<20480xi32, #tpu.memory_space<hbm>>) target(%dma_start3A_261 : memref<20480xi32, #tpu.memory_space<vmem>>) target_semaphore(%run_scoped3A_255 : memref<!tpu.dma_semaphore, #tpu.memory_space<semaphore_mem>>)
      %dma_start3A_265 = arith.constant 0 : i32
      %dma_start3A_266 = tpu.memref_slice %arg10[%dma_start3A_265] : memref<20608xi32, #tpu.memory_space<vmem>> -> memref<20480xi32, #tpu.memory_space<vmem>>
      %dma_start3A_267 = arith.constant 0 : i32
      %dma_start3A_268 = tpu.memref_slice %arg2[%run_scoped3A_151, %arg1, %dma_start3A_267] : memref<2x16x20480xi32, #tpu.memory_space<hbm>> -> memref<1x1x20480xi32, #tpu.memory_space<hbm>>
      %dma_start3A_269 = tpu.memref_squeeze %dma_start3A_268 : memref<1x1x20480xi32, #tpu.memory_space<hbm>> -> memref<20480xi32, #tpu.memory_space<hbm>>
      %dma_start3A_270 = arith.constant 0 : i32
      %dma_start3A_271 = tpu.memref_slice %arg10[%dma_start3A_270] : memref<20608xi32, #tpu.memory_space<vmem>> -> memref<20480xi32, #tpu.memory_space<vmem>>
      %dma_start3A_272 = arith.constant 0 : i32
      %dma_start3A_273 = tpu.memref_slice %arg2[%run_scoped3A_151, %arg1, %dma_start3A_272] : memref<2x16x20480xi32, #tpu.memory_space<hbm>> -> memref<1x1x20480xi32, #tpu.memory_space<hbm>>
      %dma_start3A_274 = tpu.memref_squeeze %dma_start3A_273 : memref<1x1x20480xi32, #tpu.memory_space<hbm>> -> memref<20480xi32, #tpu.memory_space<hbm>>
      tpu.enqueue_dma source(%dma_start3A_274 : memref<20480xi32, #tpu.memory_space<hbm>>) target(%dma_start3A_271 : memref<20480xi32, #tpu.memory_space<vmem>>) target_semaphore(%run_scoped3A_255 : memref<!tpu.dma_semaphore, #tpu.memory_space<semaphore_mem>>)
      %dma_wait3A = arith.constant 0 : i32
      %dma_wait3A_275 = tpu.memref_slice %arg9[%dma_wait3A] : memref<20608xi32, #tpu.memory_space<vmem>> -> memref<20480xi32, #tpu.memory_space<vmem>>
      %dma_wait3A_276 = arith.constant 0 : i32
      %dma_wait3A_277 = tpu.memref_slice %arg2[%run_scoped3A, %arg1, %dma_wait3A_276] : memref<2x16x20480xi32, #tpu.memory_space<hbm>> -> memref<1x1x20480xi32, #tpu.memory_space<hbm>>
      %dma_wait3A_278 = tpu.memref_squeeze %dma_wait3A_277 : memref<1x1x20480xi32, #tpu.memory_space<hbm>> -> memref<20480xi32, #tpu.memory_space<hbm>>
      %dma_wait3A_279 = arith.constant 0 : i32
      %dma_wait3A_280 = tpu.memref_slice %arg9[%dma_wait3A_279] : memref<20608xi32, #tpu.memory_space<vmem>> -> memref<20480xi32, #tpu.memory_space<vmem>>
      %dma_wait3A_281 = arith.constant 0 : i32
      %dma_wait3A_282 = tpu.memref_slice %arg2[%run_scoped3A, %arg1, %dma_wait3A_281] : memref<2x16x20480xi32, #tpu.memory_space<hbm>> -> memref<1x1x20480xi32, #tpu.memory_space<hbm>>
      %dma_wait3A_283 = tpu.memref_squeeze %dma_wait3A_282 : memref<1x1x20480xi32, #tpu.memory_space<hbm>> -> memref<20480xi32, #tpu.memory_space<hbm>>
      tpu.wait_dma2 semaphore(%run_scoped3A_255 : memref<!tpu.dma_semaphore, #tpu.memory_space<semaphore_mem>>) src(%dma_wait3A_283 : memref<20480xi32, #tpu.memory_space<hbm>>) dst(%dma_wait3A_280 : memref<20480xi32, #tpu.memory_space<vmem>>)
      %dma_wait3A_284 = arith.constant 0 : i32
      %dma_wait3A_285 = tpu.memref_slice %arg10[%dma_wait3A_284] : memref<20608xi32, #tpu.memory_space<vmem>> -> memref<20480xi32, #tpu.memory_space<vmem>>
      %dma_wait3A_286 = arith.constant 0 : i32
      %dma_wait3A_287 = tpu.memref_slice %arg2[%run_scoped3A_151, %arg1, %dma_wait3A_286] : memref<2x16x20480xi32, #tpu.memory_space<hbm>> -> memref<1x1x20480xi32, #tpu.memory_space<hbm>>
      %dma_wait3A_288 = tpu.memref_squeeze %dma_wait3A_287 : memref<1x1x20480xi32, #tpu.memory_space<hbm>> -> memref<20480xi32, #tpu.memory_space<hbm>>
      %dma_wait3A_289 = arith.constant 0 : i32
      %dma_wait3A_290 = tpu.memref_slice %arg10[%dma_wait3A_289] : memref<20608xi32, #tpu.memory_space<vmem>> -> memref<20480xi32, #tpu.memory_space<vmem>>
      %dma_wait3A_291 = arith.constant 0 : i32
      %dma_wait3A_292 = tpu.memref_slice %arg2[%run_scoped3A_151, %arg1, %dma_wait3A_291] : memref<2x16x20480xi32, #tpu.memory_space<hbm>> -> memref<1x1x20480xi32, #tpu.memory_space<hbm>>
      %dma_wait3A_293 = tpu.memref_squeeze %dma_wait3A_292 : memref<1x1x20480xi32, #tpu.memory_space<hbm>> -> memref<20480xi32, #tpu.memory_space<hbm>>
      tpu.wait_dma2 semaphore(%run_scoped3A_255 : memref<!tpu.dma_semaphore, #tpu.memory_space<semaphore_mem>>) src(%dma_wait3A_293 : memref<20480xi32, #tpu.memory_space<hbm>>) dst(%dma_wait3A_290 : memref<20480xi32, #tpu.memory_space<vmem>>)
      tpu.yield
    }) : () -> ()
    %broadcast_in_dim3A_152 = arith.constant -1 : i32
    %broadcast_in_dim3A_153 = vector.broadcast %broadcast_in_dim3A_152 : i32 to vector<16xi32>
    %scan3A = arith.constant 0 : i32
    %scan3A_154 = arith.constant 0 : i32
    %scan3A_155 = arith.constant 640 : i32
    %scan3A_156 = arith.addi %scan3A_154, %scan3A_155 : i32
    %scan3A_157 = arith.constant 1 : i32
    %scan3A_158 = scf.for %scan3A_255 = %scan3A_154 to %scan3A_156 step %scan3A_157 iter_args(%scan3A_256 = %scan3A) -> (i32)  : i32 {
      %mul3A_257 = arith.constant 32 : i32
      %mul3A_258 = arith.muli %scan3A_255, %mul3A_257 : i32
      %get3A_259 = arith.index_cast %mul3A_258 : i32 to index
      %get3A_260 = tpu.vector_load %arg9[%get3A_259] {strides = array<i32>} : memref<20608xi32, #tpu.memory_space<vmem>>, vector<16xi32>,
      %get3A_261 = arith.index_cast %mul3A_258 : i32 to index
      %get3A_262 = tpu.vector_load %arg10[%get3A_261] {strides = array<i32>} : memref<20608xi32, #tpu.memory_space<vmem>>, vector<16xi32>,
      %add3A_263 = arith.constant 16 : i32
      %add3A_264 = arith.addi %mul3A_258, %add3A_263 : i32
      %get3A_265 = arith.index_cast %add3A_264 : i32 to index
      %get3A_266 = tpu.vector_load %arg9[%get3A_265] {strides = array<i32>} : memref<20608xi32, #tpu.memory_space<vmem>>, vector<16xi32>,
      %add3A_267 = arith.constant 16 : i32
      %add3A_268 = arith.addi %mul3A_258, %add3A_267 : i32
      %get3A_269 = arith.index_cast %add3A_268 : i32 to index
      %get3A_270 = tpu.vector_load %arg10[%get3A_269] {strides = array<i32>} : memref<20608xi32, #tpu.memory_space<vmem>>, vector<16xi32>,
      %max3A = arith.constant 0 : i32
      %max3A_271 = vector.broadcast %max3A : i32 to vector<16xi32>
      %max3A_272 = arith.maxsi %get3A_260, %max3A_271 : vector<16xi32>
      %gather3A = tpu.vector_load_idx %arg11[%max3A_272] : memref<10016xi32, #tpu.memory_space<vmem>>[vector<16xi32>], vector<16xi32>,
      %eq3A_273 = arith.constant 1 : i32
      %eq3A_274 = vector.broadcast %eq3A_273 : i32 to vector<16xi32>
      %eq3A_275 = arith.cmpi eq, %gather3A, %eq3A_274 : vector<16xi32>
      %ge3A = vector.broadcast %mul3A_0 : i32 to vector<16xi32>
      %ge3A_276 = arith.cmpi sge, %get3A_260, %ge3A : vector<16xi32>
      %and3A = arith.andi %eq3A_275, %ge3A_276 : vector<16xi1>
      %add3A_277 = arith.constant 5000 : i32
      %add3A_278 = arith.addi %mul3A_0, %add3A_277 : i32
      %lt3A = vector.broadcast %add3A_278 : i32 to vector<16xi32>
      %lt3A_279 = arith.cmpi slt, %get3A_260, %lt3A : vector<16xi32>
      %and3A_280 = arith.andi %and3A, %lt3A_279 : vector<16xi1>
      %sub3A_281 = vector.broadcast %mul3A_0 : i32 to vector<16xi32>
      %sub3A_282 = arith.subi %get3A_260, %sub3A_281 : vector<16xi32>
      %jit3A = arith.constant 0 : i32
      %broadcast_in_dim3A_283 = vector.broadcast %jit3A : i32 to vector<16xi32>
      %select_n3A = arith.select %and3A_280, %sub3A_282, %broadcast_in_dim3A_283 : vector<16xi1>, vector<16xi32>
      %shift_right_logical3A = arith.constant 7 : i32
      %shift_right_logical3A_284 = vector.broadcast %shift_right_logical3A : i32 to vector<16xi32>
      %shift_right_logical3A_285 = arith.shrui %select_n3A, %shift_right_logical3A_284 : vector<16xi32>
      %and3A_286 = arith.constant 127 : i32
      %and3A_287 = vector.broadcast %and3A_286 : i32 to vector<16xi32>
      %and3A_288 = arith.andi %select_n3A, %and3A_287 : vector<16xi32>
      tpu.vector_store_idx %arg13[%shift_right_logical3A_285, %and3A_288], %broadcast_in_dim3A_3 masked %and3A_280 {add = true} : memref<40x128xf32, #tpu.memory_space<vmem>>[vector<16xi32>, vector<16xi32>], vector<16xf32>, vector<16xi1>
      %swap3A_289 = arith.index_cast %scan3A_256 : i32 to index
      %swap3A_290 = tpu.vector_load %arg9[%swap3A_289] masked %and3A_280 {strides = array<i32>} : memref<20608xi32, #tpu.memory_space<vmem>>, vector<16xi32>, vector<16xi1>
      tpu.vector_store %arg9[%swap3A_289], %select_n3A masked %and3A_280 {strides = array<i32>} : memref<20608xi32, #tpu.memory_space<vmem>>, vector<16xi32>, vector<16xi1>
      %swap3A_291 = arith.index_cast %scan3A_256 : i32 to index
      %swap3A_292 = tpu.vector_load %arg10[%swap3A_291] masked %and3A_280 {strides = array<i32>} : memref<20608xi32, #tpu.memory_space<vmem>>, vector<16xi32>, vector<16xi1>
      tpu.vector_store %arg10[%swap3A_291], %get3A_262 masked %and3A_280 {strides = array<i32>} : memref<20608xi32, #tpu.memory_space<vmem>>, vector<16xi32>, vector<16xi1>
      %convert_element_type3A_293 = arith.extui %and3A_280 : vector<16xi1> to vector<16xi32>
      %reduce_sum3A = arith.constant true
      %reduce_sum3A_294 = vector.broadcast %reduce_sum3A : i1 to vector<16xi1>
      %reduce_sum3A_295 = tpu.scan <sum>, %convert_element_type3A_293 masked %reduce_sum3A_294 : vector<16xi32>, vector<16xi1> -> vector<16xi32>
      %reduce_sum3A_296 = vector.extract %reduce_sum3A_295[15] : i32 from vector<16xi32>
      %add3A_297 = arith.addi %scan3A_256, %reduce_sum3A_296 : i32
      %max3A_298 = arith.constant 0 : i32
      %max3A_299 = vector.broadcast %max3A_298 : i32 to vector<16xi32>
      %max3A_300 = arith.maxsi %get3A_266, %max3A_299 : vector<16xi32>
      %gather3A_301 = tpu.vector_load_idx %arg11[%max3A_300] : memref<10016xi32, #tpu.memory_space<vmem>>[vector<16xi32>], vector<16xi32>,
      %eq3A_302 = arith.constant 1 : i32
      %eq3A_303 = vector.broadcast %eq3A_302 : i32 to vector<16xi32>
      %eq3A_304 = arith.cmpi eq, %gather3A_301, %eq3A_303 : vector<16xi32>
      %ge3A_305 = vector.broadcast %mul3A_0 : i32 to vector<16xi32>
      %ge3A_306 = arith.cmpi sge, %get3A_266, %ge3A_305 : vector<16xi32>
      %and3A_307 = arith.andi %eq3A_304, %ge3A_306 : vector<16xi1>
      %add3A_308 = arith.constant 5000 : i32
      %add3A_309 = arith.addi %mul3A_0, %add3A_308 : i32
      %lt3A_310 = vector.broadcast %add3A_309 : i32 to vector<16xi32>
      %lt3A_311 = arith.cmpi slt, %get3A_266, %lt3A_310 : vector<16xi32>
      %and3A_312 = arith.andi %and3A_307, %lt3A_311 : vector<16xi1>
      %sub3A_313 = vector.broadcast %mul3A_0 : i32 to vector<16xi32>
      %sub3A_314 = arith.subi %get3A_266, %sub3A_313 : vector<16xi32>
      %jit3A_315 = arith.constant 0 : i32
      %broadcast_in_dim3A_316 = vector.broadcast %jit3A_315 : i32 to vector<16xi32>
      %select_n3A_317 = arith.select %and3A_312, %sub3A_314, %broadcast_in_dim3A_316 : vector<16xi1>, vector<16xi32>
      %shift_right_logical3A_318 = arith.constant 7 : i32
      %shift_right_logical3A_319 = vector.broadcast %shift_right_logical3A_318 : i32 to vector<16xi32>
      %shift_right_logical3A_320 = arith.shrui %select_n3A_317, %shift_right_logical3A_319 : vector<16xi32>
      %and3A_321 = arith.constant 127 : i32
      %and3A_322 = vector.broadcast %and3A_321 : i32 to vector<16xi32>
      %and3A_323 = arith.andi %select_n3A_317, %and3A_322 : vector<16xi32>
      tpu.vector_store_idx %arg13[%shift_right_logical3A_320, %and3A_323], %broadcast_in_dim3A_3 masked %and3A_312 {add = true} : memref<40x128xf32, #tpu.memory_space<vmem>>[vector<16xi32>, vector<16xi32>], vector<16xf32>, vector<16xi1>
      %swap3A_324 = arith.index_cast %add3A_297 : i32 to index
      %swap3A_325 = tpu.vector_load %arg9[%swap3A_324] masked %and3A_312 {strides = array<i32>} : memref<20608xi32, #tpu.memory_space<vmem>>, vector<16xi32>, vector<16xi1>
      tpu.vector_store %arg9[%swap3A_324], %select_n3A_317 masked %and3A_312 {strides = array<i32>} : memref<20608xi32, #tpu.memory_space<vmem>>, vector<16xi32>, vector<16xi1>
      %swap3A_326 = arith.index_cast %add3A_297 : i32 to index
      %swap3A_327 = tpu.vector_load %arg10[%swap3A_326] masked %and3A_312 {strides = array<i32>} : memref<20608xi32, #tpu.memory_space<vmem>>, vector<16xi32>, vector<16xi1>
      tpu.vector_store %arg10[%swap3A_326], %get3A_270 masked %and3A_312 {strides = array<i32>} : memref<20608xi32, #tpu.memory_space<vmem>>, vector<16xi32>, vector<16xi1>
      %convert_element_type3A_328 = arith.extui %and3A_312 : vector<16xi1> to vector<16xi32>
      %reduce_sum3A_329 = arith.constant true
      %reduce_sum3A_330 = vector.broadcast %reduce_sum3A_329 : i1 to vector<16xi1>
      %reduce_sum3A_331 = tpu.scan <sum>, %convert_element_type3A_328 masked %reduce_sum3A_330 : vector<16xi32>, vector<16xi1> -> vector<16xi32>
      %reduce_sum3A_332 = vector.extract %reduce_sum3A_331[15] : i32 from vector<16xi32>
      %add3A_333 = arith.addi %add3A_297, %reduce_sum3A_332 : i32
      scf.yield %add3A_333 : i32
    }
    %scan3A_159 = arith.constant 640 : i32
    %add3A_160 = arith.constant 0 : i32
    %add3A_161 = arith.addi %scan3A_158, %add3A_160 : i32
    %swap3A_162 = arith.index_cast %add3A_161 : i32 to index
    %swap3A_163 = tpu.vector_load %arg9[%swap3A_162] {strides = array<i32>} : memref<20608xi32, #tpu.memory_space<vmem>>, vector<16xi32>,
    tpu.vector_store %arg9[%swap3A_162], %broadcast_in_dim3A_153 {strides = array<i32>} : memref<20608xi32, #tpu.memory_space<vmem>>, vector<16xi32>,
    %add3A_164 = arith.constant 0 : i32
    %add3A_165 = arith.addi %scan3A_158, %add3A_164 : i32
    %swap3A_166 = arith.index_cast %add3A_165 : i32 to index
    %swap3A_167 = tpu.vector_load %arg10[%swap3A_166] {strides = array<i32>} : memref<20608xi32, #tpu.memory_space<vmem>>, vector<16xi32>,
    tpu.vector_store %arg10[%swap3A_166], %broadcast_in_dim3A_153 {strides = array<i32>} : memref<20608xi32, #tpu.memory_space<vmem>>, vector<16xi32>,
    %add3A_168 = arith.constant 16 : i32
    %add3A_169 = arith.addi %scan3A_158, %add3A_168 : i32
    %swap3A_170 = arith.index_cast %add3A_169 : i32 to index
    %swap3A_171 = tpu.vector_load %arg9[%swap3A_170] {strides = array<i32>} : memref<20608xi32, #tpu.memory_space<vmem>>, vector<16xi32>,
    tpu.vector_store %arg9[%swap3A_170], %broadcast_in_dim3A_153 {strides = array<i32>} : memref<20608xi32, #tpu.memory_space<vmem>>, vector<16xi32>,
    %add3A_172 = arith.constant 16 : i32
    %add3A_173 = arith.addi %scan3A_158, %add3A_172 : i32
    %swap3A_174 = arith.index_cast %add3A_173 : i32 to index
    %swap3A_175 = tpu.vector_load %arg10[%swap3A_174] {strides = array<i32>} : memref<20608xi32, #tpu.memory_space<vmem>>, vector<16xi32>,
    tpu.vector_store %arg10[%swap3A_174], %broadcast_in_dim3A_153 {strides = array<i32>} : memref<20608xi32, #tpu.memory_space<vmem>>, vector<16xi32>,
    %add3A_176 = arith.constant 32 : i32
    %add3A_177 = arith.addi %scan3A_158, %add3A_176 : i32
    %swap3A_178 = arith.index_cast %add3A_177 : i32 to index
    %swap3A_179 = tpu.vector_load %arg9[%swap3A_178] {strides = array<i32>} : memref<20608xi32, #tpu.memory_space<vmem>>, vector<16xi32>,
    tpu.vector_store %arg9[%swap3A_178], %broadcast_in_dim3A_153 {strides = array<i32>} : memref<20608xi32, #tpu.memory_space<vmem>>, vector<16xi32>,
    %add3A_180 = arith.constant 32 : i32
    %add3A_181 = arith.addi %scan3A_158, %add3A_180 : i32
    %swap3A_182 = arith.index_cast %add3A_181 : i32 to index
    %swap3A_183 = tpu.vector_load %arg10[%swap3A_182] {strides = array<i32>} : memref<20608xi32, #tpu.memory_space<vmem>>, vector<16xi32>,
    tpu.vector_store %arg10[%swap3A_182], %broadcast_in_dim3A_153 {strides = array<i32>} : memref<20608xi32, #tpu.memory_space<vmem>>, vector<16xi32>,
    %add3A_184 = arith.constant 48 : i32
    %add3A_185 = arith.addi %scan3A_158, %add3A_184 : i32
    %swap3A_186 = arith.index_cast %add3A_185 : i32 to index
    %swap3A_187 = tpu.vector_load %arg9[%swap3A_186] {strides = array<i32>} : memref<20608xi32, #tpu.memory_space<vmem>>, vector<16xi32>,
    tpu.vector_store %arg9[%swap3A_186], %broadcast_in_dim3A_153 {strides = array<i32>} : memref<20608xi32, #tpu.memory_space<vmem>>, vector<16xi32>,
    %add3A_188 = arith.constant 48 : i32
    %add3A_189 = arith.addi %scan3A_158, %add3A_188 : i32
    %swap3A_190 = arith.index_cast %add3A_189 : i32 to index
    %swap3A_191 = tpu.vector_load %arg10[%swap3A_190] {strides = array<i32>} : memref<20608xi32, #tpu.memory_space<vmem>>, vector<16xi32>,
    tpu.vector_store %arg10[%swap3A_190], %broadcast_in_dim3A_153 {strides = array<i32>} : memref<20608xi32, #tpu.memory_space<vmem>>, vector<16xi32>,
    %add3A_192 = arith.constant 64 : i32
    %add3A_193 = arith.addi %scan3A_158, %add3A_192 : i32
    %swap3A_194 = arith.index_cast %add3A_193 : i32 to index
    %swap3A_195 = tpu.vector_load %arg9[%swap3A_194] {strides = array<i32>} : memref<20608xi32, #tpu.memory_space<vmem>>, vector<16xi32>,
    tpu.vector_store %arg9[%swap3A_194], %broadcast_in_dim3A_153 {strides = array<i32>} : memref<20608xi32, #tpu.memory_space<vmem>>, vector<16xi32>,
    %add3A_196 = arith.constant 64 : i32
    %add3A_197 = arith.addi %scan3A_158, %add3A_196 : i32
    %swap3A_198 = arith.index_cast %add3A_197 : i32 to index
    %swap3A_199 = tpu.vector_load %arg10[%swap3A_198] {strides = array<i32>} : memref<20608xi32, #tpu.memory_space<vmem>>, vector<16xi32>,
    tpu.vector_store %arg10[%swap3A_198], %broadcast_in_dim3A_153 {strides = array<i32>} : memref<20608xi32, #tpu.memory_space<vmem>>, vector<16xi32>,
    %add3A_200 = arith.constant 80 : i32
    %add3A_201 = arith.addi %scan3A_158, %add3A_200 : i32
    %swap3A_202 = arith.index_cast %add3A_201 : i32 to index
    %swap3A_203 = tpu.vector_load %arg9[%swap3A_202] {strides = array<i32>} : memref<20608xi32, #tpu.memory_space<vmem>>, vector<16xi32>,
    tpu.vector_store %arg9[%swap3A_202], %broadcast_in_dim3A_153 {strides = array<i32>} : memref<20608xi32, #tpu.memory_space<vmem>>, vector<16xi32>,
    %add3A_204 = arith.constant 80 : i32
    %add3A_205 = arith.addi %scan3A_158, %add3A_204 : i32
    %swap3A_206 = arith.index_cast %add3A_205 : i32 to index
    %swap3A_207 = tpu.vector_load %arg10[%swap3A_206] {strides = array<i32>} : memref<20608xi32, #tpu.memory_space<vmem>>, vector<16xi32>,
    tpu.vector_store %arg10[%swap3A_206], %broadcast_in_dim3A_153 {strides = array<i32>} : memref<20608xi32, #tpu.memory_space<vmem>>, vector<16xi32>,
    %add3A_208 = arith.constant 96 : i32
    %add3A_209 = arith.addi %scan3A_158, %add3A_208 : i32
    %swap3A_210 = arith.index_cast %add3A_209 : i32 to index
    %swap3A_211 = tpu.vector_load %arg9[%swap3A_210] {strides = array<i32>} : memref<20608xi32, #tpu.memory_space<vmem>>, vector<16xi32>,
    tpu.vector_store %arg9[%swap3A_210], %broadcast_in_dim3A_153 {strides = array<i32>} : memref<20608xi32, #tpu.memory_space<vmem>>, vector<16xi32>,
    %add3A_212 = arith.constant 96 : i32
    %add3A_213 = arith.addi %scan3A_158, %add3A_212 : i32
    %swap3A_214 = arith.index_cast %add3A_213 : i32 to index
    %swap3A_215 = tpu.vector_load %arg10[%swap3A_214] {strides = array<i32>} : memref<20608xi32, #tpu.memory_space<vmem>>, vector<16xi32>,
    tpu.vector_store %arg10[%swap3A_214], %broadcast_in_dim3A_153 {strides = array<i32>} : memref<20608xi32, #tpu.memory_space<vmem>>, vector<16xi32>,
    %add3A_216 = arith.constant 112 : i32
    %add3A_217 = arith.addi %scan3A_158, %add3A_216 : i32
    %swap3A_218 = arith.index_cast %add3A_217 : i32 to index
    %swap3A_219 = tpu.vector_load %arg9[%swap3A_218] {strides = array<i32>} : memref<20608xi32, #tpu.memory_space<vmem>>, vector<16xi32>,
    tpu.vector_store %arg9[%swap3A_218], %broadcast_in_dim3A_153 {strides = array<i32>} : memref<20608xi32, #tpu.memory_space<vmem>>, vector<16xi32>,
    %add3A_220 = arith.constant 112 : i32
    %add3A_221 = arith.addi %scan3A_158, %add3A_220 : i32
    %swap3A_222 = arith.index_cast %add3A_221 : i32 to index
    %swap3A_223 = tpu.vector_load %arg10[%swap3A_222] {strides = array<i32>} : memref<20608xi32, #tpu.memory_space<vmem>>, vector<16xi32>,
    tpu.vector_store %arg10[%swap3A_222], %broadcast_in_dim3A_153 {strides = array<i32>} : memref<20608xi32, #tpu.memory_space<vmem>>, vector<16xi32>,
    %add3A_224 = arith.constant 128 : i32
    %add3A_225 = arith.addi %scan3A_158, %add3A_224 : i32
    %sub3A = arith.constant 1 : i32
    %sub3A_226 = arith.subi %add3A_225, %sub3A : i32
    %div3A = arith.constant 128 : i32
    %div3A_227 = arith.divsi %sub3A_226, %div3A : i32
    %barrier3A = arith.constant 0 : index
    tpu.barrier barrier_id(%barrier3A)
    %gt3A = arith.constant 0 : i32
    %gt3A_228 = arith.cmpi sgt, %div3A_227, %gt3A : i32
    %convert_element_type3A_229 = arith.extui %gt3A_228 : i1 to i32
    %cond3A_230 = arith.constant 0 : i32
    %cond3A_231 = arith.cmpi ne, %convert_element_type3A_229, %cond3A_230 : i32
    scf.if %cond3A_231 {
      %dma_start3A = arith.constant 0 : i32
      %dma_start3A_255 = arith.constant 0 : i32
      %dma_start3A_256 = arith.constant 0 : i32
      %dma_start3A_257 = arith.constant 0 : i32
      %dma_start3A_258 = tpu.memref_slice %arg12[%dma_start3A, %dma_start3A_256, %dma_start3A_257] : memref<2x128x128xf32, #tpu.memory_space<vmem>> -> memref<1x128x128xf32, #tpu.memory_space<vmem>>
      %dma_start3A_259 = tpu.memref_squeeze %dma_start3A_258 : memref<1x128x128xf32, #tpu.memory_space<vmem>> -> memref<128x128xf32, #tpu.memory_space<vmem>>
      %dma_start3A_260 = arith.constant 0 : i32
      %dma_start3A_261 = tpu.memref_slice %arg10[%dma_start3A_260] : memref<20608xi32, #tpu.memory_space<vmem>> -> memref<128xi32, #tpu.memory_space<vmem>>
      %dma_start3A_262 = arith.constant 0 : i32
      %dma_start3A_263 = arith.constant 0 : i32
      %dma_start3A_264 = tpu.memref_slice %arg3[%dma_start3A_262, %dma_start3A_263] : memref<10000x128xf32, #tpu.memory_space<hbm>> -> memref<10000x128xf32, #tpu.memory_space<hbm>>
      %dma_start3A_265 = arith.constant -1 : i32
      %dma_start3A_266 = tpu.memref_slice %arg16[%dma_start3A_255] : memref<2x!tpu.dma_semaphore, #tpu.memory_space<semaphore_mem>> -> memref<1x!tpu.dma_semaphore, #tpu.memory_space<semaphore_mem>>
      %dma_start3A_267 = tpu.memref_squeeze %dma_start3A_266 : memref<1x!tpu.dma_semaphore, #tpu.memory_space<semaphore_mem>> -> memref<!tpu.dma_semaphore, #tpu.memory_space<semaphore_mem>>
      tpu.enqueue_indirect_dma source(%dma_start3A_264 : memref<10000x128xf32, #tpu.memory_space<hbm>>) target(%dma_start3A_259 : memref<128x128xf32, #tpu.memory_space<vmem>>) offsets(%dma_start3A_261 : memref<128xi32, #tpu.memory_space<vmem>>) offset_filter(%dma_start3A_265) semaphore(%dma_start3A_267 : memref<!tpu.dma_semaphore, #tpu.memory_space<semaphore_mem>>)
    } else {
    }
    %while3A = arith.constant 0 : i32
    %while3A_232 = arith.constant 0 : i32
    %while3A_233 = arith.subi %div3A_227, %while3A : i32
    %while3A_234 = arith.addi %while3A, %while3A_233 : i32
    %while3A_235 = arith.constant 1 : i32
    %while3A_236 = arith.divsi %while3A_233, %while3A_235 : i32
    %while3A_237 = arith.muli %while3A_236, %while3A_235 : i32
    %while3A_238 = arith.addi %while3A, %while3A_237 : i32
    %while3A_239 = arith.constant 1 : i32
    %while3A_240 = scf.for %while3A_255 = %while3A to %while3A_238 step %while3A_239 iter_args(%while3A_256 = %while3A_232) -> (i32)  : i32 {
      %rem3A = arith.constant 2 : i32
      %rem3A_257 = arith.remsi %while3A_255, %rem3A : i32
      %sub3A_258 = arith.constant 1 : i32
      %sub3A_259 = arith.subi %sub3A_258, %rem3A_257 : i32
      %ge3A = arith.constant 1 : i32
      %ge3A_260 = arith.cmpi sge, %while3A_255, %ge3A : i32
      %convert_element_type3A_261 = arith.extui %ge3A_260 : i1 to i32
      %cond3A_262 = arith.constant 0 : i32
      %cond3A_263 = arith.cmpi ne, %convert_element_type3A_261, %cond3A_262 : i32
      scf.if %cond3A_263 {
        %dma_wait3A_365 = arith.constant 0 : i32
        %dma_wait3A_366 = arith.constant 0 : i32
        %dma_wait3A_367 = tpu.memref_slice %arg12[%sub3A_259, %dma_wait3A_365, %dma_wait3A_366] : memref<2x128x128xf32, #tpu.memory_space<vmem>> -> memref<1x128x128xf32, #tpu.memory_space<vmem>>
        %dma_wait3A_368 = tpu.memref_squeeze %dma_wait3A_367 : memref<1x128x128xf32, #tpu.memory_space<vmem>> -> memref<128x128xf32, #tpu.memory_space<vmem>>
        %dma_wait3A_369 = arith.constant 0 : i32
        %dma_wait3A_370 = tpu.memref_slice %arg15[%sub3A_259, %dma_wait3A_369] : memref<2x128xi32, #tpu.memory_space<vmem>> -> memref<1x128xi32, #tpu.memory_space<vmem>>
        %dma_wait3A_371 = tpu.memref_squeeze %dma_wait3A_370 : memref<1x128xi32, #tpu.memory_space<vmem>> -> memref<128xi32, #tpu.memory_space<vmem>>
        %dma_wait3A_372 = arith.constant 0 : i32
        %dma_wait3A_373 = arith.constant 0 : i32
        %dma_wait3A_374 = tpu.memref_slice %arg18[%dma_wait3A_372, %dma_wait3A_373] : memref<5120x128xf32, #tpu.memory_space<vmem_shared>> -> memref<5120x128xf32, #tpu.memory_space<vmem_shared>>
        %dma_wait3A_375 = tpu.memref_slice %arg17[%sub3A_259] : memref<2x!tpu.dma_semaphore, #tpu.memory_space<semaphore_mem>> -> memref<1x!tpu.dma_semaphore, #tpu.memory_space<semaphore_mem>>
        %dma_wait3A_376 = tpu.memref_squeeze %dma_wait3A_375 : memref<1x!tpu.dma_semaphore, #tpu.memory_space<semaphore_mem>> -> memref<!tpu.dma_semaphore, #tpu.memory_space<semaphore_mem>>
        tpu.wait_indirect_dma semaphore(%dma_wait3A_376 : memref<!tpu.dma_semaphore, #tpu.memory_space<semaphore_mem>>) src(%dma_wait3A_368 : memref<128x128xf32, #tpu.memory_space<vmem>>) dst(%dma_wait3A_374 : memref<5120x128xf32, #tpu.memory_space<vmem_shared>>)
      } else {
      }
      %add3A_264 = arith.constant 1 : i32
      %add3A_265 = arith.addi %while3A_255, %add3A_264 : i32
      %lt3A = arith.cmpi slt, %add3A_265, %div3A_227 : i32
      %convert_element_type3A_266 = arith.extui %lt3A : i1 to i32
      %cond3A_267 = arith.constant 0 : i32
      %cond3A_268 = arith.cmpi ne, %convert_element_type3A_266, %cond3A_267 : i32
      scf.if %cond3A_268 {
        %add3A_365 = arith.constant 1 : i32
        %add3A_366 = arith.addi %while3A_255, %add3A_365 : i32
        %mul3A_367 = arith.constant 128 : i32
        %mul3A_368 = arith.muli %add3A_366, %mul3A_367 : i32
        %dma_start3A_369 = arith.constant 0 : i32
        %dma_start3A_370 = arith.constant 0 : i32
        %dma_start3A_371 = tpu.memref_slice %arg12[%sub3A_259, %dma_start3A_369, %dma_start3A_370] : memref<2x128x128xf32, #tpu.memory_space<vmem>> -> memref<1x128x128xf32, #tpu.memory_space<vmem>>
        %dma_start3A_372 = tpu.memref_squeeze %dma_start3A_371 : memref<1x128x128xf32, #tpu.memory_space<vmem>> -> memref<128x128xf32, #tpu.memory_space<vmem>>
        %dma_start3A_373 = tpu.memref_slice %arg10[%mul3A_368] : memref<20608xi32, #tpu.memory_space<vmem>> -> memref<128xi32, #tpu.memory_space<vmem>>
        %dma_start3A_374 = arith.constant 0 : i32
        %dma_start3A_375 = arith.constant 0 : i32
        %dma_start3A_376 = tpu.memref_slice %arg3[%dma_start3A_374, %dma_start3A_375] : memref<10000x128xf32, #tpu.memory_space<hbm>> -> memref<10000x128xf32, #tpu.memory_space<hbm>>
        %dma_start3A_377 = arith.constant -1 : i32
        %dma_start3A_378 = tpu.memref_slice %arg16[%sub3A_259] : memref<2x!tpu.dma_semaphore, #tpu.memory_space<semaphore_mem>> -> memref<1x!tpu.dma_semaphore, #tpu.memory_space<semaphore_mem>>
        %dma_start3A_379 = tpu.memref_squeeze %dma_start3A_378 : memref<1x!tpu.dma_semaphore, #tpu.memory_space<semaphore_mem>> -> memref<!tpu.dma_semaphore, #tpu.memory_space<semaphore_mem>>
        tpu.enqueue_indirect_dma source(%dma_start3A_376 : memref<10000x128xf32, #tpu.memory_space<hbm>>) target(%dma_start3A_372 : memref<128x128xf32, #tpu.memory_space<vmem>>) offsets(%dma_start3A_373 : memref<128xi32, #tpu.memory_space<vmem>>) offset_filter(%dma_start3A_377) semaphore(%dma_start3A_379 : memref<!tpu.dma_semaphore, #tpu.memory_space<semaphore_mem>>)
      } else {
      }
      %mul3A_269 = arith.constant 128 : i32
      %mul3A_270 = arith.muli %while3A_255, %mul3A_269 : i32
      %dma_wait3A = arith.constant 0 : i32
      %dma_wait3A_271 = arith.constant 0 : i32
      %dma_wait3A_272 = tpu.memref_slice %arg12[%rem3A_257, %dma_wait3A, %dma_wait3A_271] : memref<2x128x128xf32, #tpu.memory_space<vmem>> -> memref<1x128x128xf32, #tpu.memory_space<vmem>>
      %dma_wait3A_273 = tpu.memref_squeeze %dma_wait3A_272 : memref<1x128x128xf32, #tpu.memory_space<vmem>> -> memref<128x128xf32, #tpu.memory_space<vmem>>
      %dma_wait3A_274 = tpu.memref_slice %arg10[%mul3A_270] : memref<20608xi32, #tpu.memory_space<vmem>> -> memref<128xi32, #tpu.memory_space<vmem>>
      %dma_wait3A_275 = arith.constant 0 : i32
      %dma_wait3A_276 = arith.constant 0 : i32
      %dma_wait3A_277 = tpu.memref_slice %arg3[%dma_wait3A_275, %dma_wait3A_276] : memref<10000x128xf32, #tpu.memory_space<hbm>> -> memref<10000x128xf32, #tpu.memory_space<hbm>>
      %dma_wait3A_278 = tpu.memref_slice %arg16[%rem3A_257] : memref<2x!tpu.dma_semaphore, #tpu.memory_space<semaphore_mem>> -> memref<1x!tpu.dma_semaphore, #tpu.memory_space<semaphore_mem>>
      %dma_wait3A_279 = tpu.memref_squeeze %dma_wait3A_278 : memref<1x!tpu.dma_semaphore, #tpu.memory_space<semaphore_mem>> -> memref<!tpu.dma_semaphore, #tpu.memory_space<semaphore_mem>>
      tpu.wait_indirect_dma semaphore(%dma_wait3A_279 : memref<!tpu.dma_semaphore, #tpu.memory_space<semaphore_mem>>) src(%dma_wait3A_277 : memref<10000x128xf32, #tpu.memory_space<hbm>>) dst(%dma_wait3A_273 : memref<128x128xf32, #tpu.memory_space<vmem>>)
      %mul3A_280 = arith.constant 128 : i32
      %mul3A_281 = arith.muli %while3A_255, %mul3A_280 : i32
      %add3A_282 = arith.constant 0 : i32
      %add3A_283 = arith.addi %mul3A_281, %add3A_282 : i32
      %get3A_284 = arith.index_cast %add3A_283 : i32 to index
      %get3A_285 = tpu.vector_load %arg9[%get3A_284] {strides = array<i32>} : memref<20608xi32, #tpu.memory_space<vmem>>, vector<16xi32>,
      %swap3A_286 = arith.index_cast %rem3A_257 : i32 to index
      %swap3A_287 = arith.constant 0 : index
      %swap3A_288 = tpu.vector_load %arg15[%swap3A_286, %swap3A_287] {strides = array<i32>} : memref<2x128xi32, #tpu.memory_space<vmem>>, vector<16xi32>,
      tpu.vector_store %arg15[%swap3A_286, %swap3A_287], %get3A_285 {strides = array<i32>} : memref<2x128xi32, #tpu.memory_space<vmem>>, vector<16xi32>,
      %mul3A_289 = arith.constant 128 : i32
      %mul3A_290 = arith.muli %while3A_255, %mul3A_289 : i32
      %add3A_291 = arith.constant 16 : i32
      %add3A_292 = arith.addi %mul3A_290, %add3A_291 : i32
      %get3A_293 = arith.index_cast %add3A_292 : i32 to index
      %get3A_294 = tpu.vector_load %arg9[%get3A_293] {strides = array<i32>} : memref<20608xi32, #tpu.memory_space<vmem>>, vector<16xi32>,
      %swap3A_295 = arith.index_cast %rem3A_257 : i32 to index
      %swap3A_296 = arith.constant 16 : index
      %swap3A_297 = tpu.vector_load %arg15[%swap3A_295, %swap3A_296] {strides = array<i32>} : memref<2x128xi32, #tpu.memory_space<vmem>>, vector<16xi32>,
      tpu.vector_store %arg15[%swap3A_295, %swap3A_296], %get3A_294 {strides = array<i32>} : memref<2x128xi32, #tpu.memory_space<vmem>>, vector<16xi32>,
      %mul3A_298 = arith.constant 128 : i32
      %mul3A_299 = arith.muli %while3A_255, %mul3A_298 : i32
      %add3A_300 = arith.constant 32 : i32
      %add3A_301 = arith.addi %mul3A_299, %add3A_300 : i32
      %get3A_302 = arith.index_cast %add3A_301 : i32 to index
      %get3A_303 = tpu.vector_load %arg9[%get3A_302] {strides = array<i32>} : memref<20608xi32, #tpu.memory_space<vmem>>, vector<16xi32>,
      %swap3A_304 = arith.index_cast %rem3A_257 : i32 to index
      %swap3A_305 = arith.constant 32 : index
      %swap3A_306 = tpu.vector_load %arg15[%swap3A_304, %swap3A_305] {strides = array<i32>} : memref<2x128xi32, #tpu.memory_space<vmem>>, vector<16xi32>,
      tpu.vector_store %arg15[%swap3A_304, %swap3A_305], %get3A_303 {strides = array<i32>} : memref<2x128xi32, #tpu.memory_space<vmem>>, vector<16xi32>,
      %mul3A_307 = arith.constant 128 : i32
      %mul3A_308 = arith.muli %while3A_255, %mul3A_307 : i32
      %add3A_309 = arith.constant 48 : i32
      %add3A_310 = arith.addi %mul3A_308, %add3A_309 : i32
      %get3A_311 = arith.index_cast %add3A_310 : i32 to index
      %get3A_312 = tpu.vector_load %arg9[%get3A_311] {strides = array<i32>} : memref<20608xi32, #tpu.memory_space<vmem>>, vector<16xi32>,
      %swap3A_313 = arith.index_cast %rem3A_257 : i32 to index
      %swap3A_314 = arith.constant 48 : index
      %swap3A_315 = tpu.vector_load %arg15[%swap3A_313, %swap3A_314] {strides = array<i32>} : memref<2x128xi32, #tpu.memory_space<vmem>>, vector<16xi32>,
      tpu.vector_store %arg15[%swap3A_313, %swap3A_314], %get3A_312 {strides = array<i32>} : memref<2x128xi32, #tpu.memory_space<vmem>>, vector<16xi32>,
      %mul3A_316 = arith.constant 128 : i32
      %mul3A_317 = arith.muli %while3A_255, %mul3A_316 : i32
      %add3A_318 = arith.constant 64 : i32
      %add3A_319 = arith.addi %mul3A_317, %add3A_318 : i32
      %get3A_320 = arith.index_cast %add3A_319 : i32 to index
      %get3A_321 = tpu.vector_load %arg9[%get3A_320] {strides = array<i32>} : memref<20608xi32, #tpu.memory_space<vmem>>, vector<16xi32>,
      %swap3A_322 = arith.index_cast %rem3A_257 : i32 to index
      %swap3A_323 = arith.constant 64 : index
      %swap3A_324 = tpu.vector_load %arg15[%swap3A_322, %swap3A_323] {strides = array<i32>} : memref<2x128xi32, #tpu.memory_space<vmem>>, vector<16xi32>,
      tpu.vector_store %arg15[%swap3A_322, %swap3A_323], %get3A_321 {strides = array<i32>} : memref<2x128xi32, #tpu.memory_space<vmem>>, vector<16xi32>,
      %mul3A_325 = arith.constant 128 : i32
      %mul3A_326 = arith.muli %while3A_255, %mul3A_325 : i32
      %add3A_327 = arith.constant 80 : i32
      %add3A_328 = arith.addi %mul3A_326, %add3A_327 : i32
      %get3A_329 = arith.index_cast %add3A_328 : i32 to index
      %get3A_330 = tpu.vector_load %arg9[%get3A_329] {strides = array<i32>} : memref<20608xi32, #tpu.memory_space<vmem>>, vector<16xi32>,
      %swap3A_331 = arith.index_cast %rem3A_257 : i32 to index
      %swap3A_332 = arith.constant 80 : index
      %swap3A_333 = tpu.vector_load %arg15[%swap3A_331, %swap3A_332] {strides = array<i32>} : memref<2x128xi32, #tpu.memory_space<vmem>>, vector<16xi32>,
      tpu.vector_store %arg15[%swap3A_331, %swap3A_332], %get3A_330 {strides = array<i32>} : memref<2x128xi32, #tpu.memory_space<vmem>>, vector<16xi32>,
      %mul3A_334 = arith.constant 128 : i32
      %mul3A_335 = arith.muli %while3A_255, %mul3A_334 : i32
      %add3A_336 = arith.constant 96 : i32
      %add3A_337 = arith.addi %mul3A_335, %add3A_336 : i32
      %get3A_338 = arith.index_cast %add3A_337 : i32 to index
      %get3A_339 = tpu.vector_load %arg9[%get3A_338] {strides = array<i32>} : memref<20608xi32, #tpu.memory_space<vmem>>, vector<16xi32>,
      %swap3A_340 = arith.index_cast %rem3A_257 : i32 to index
      %swap3A_341 = arith.constant 96 : index
      %swap3A_342 = tpu.vector_load %arg15[%swap3A_340, %swap3A_341] {strides = array<i32>} : memref<2x128xi32, #tpu.memory_space<vmem>>, vector<16xi32>,
      tpu.vector_store %arg15[%swap3A_340, %swap3A_341], %get3A_339 {strides = array<i32>} : memref<2x128xi32, #tpu.memory_space<vmem>>, vector<16xi32>,
      %mul3A_343 = arith.constant 128 : i32
      %mul3A_344 = arith.muli %while3A_255, %mul3A_343 : i32
      %add3A_345 = arith.constant 112 : i32
      %add3A_346 = arith.addi %mul3A_344, %add3A_345 : i32
      %get3A_347 = arith.index_cast %add3A_346 : i32 to index
      %get3A_348 = tpu.vector_load %arg9[%get3A_347] {strides = array<i32>} : memref<20608xi32, #tpu.memory_space<vmem>>, vector<16xi32>,
      %swap3A_349 = arith.index_cast %rem3A_257 : i32 to index
      %swap3A_350 = arith.constant 112 : index
      %swap3A_351 = tpu.vector_load %arg15[%swap3A_349, %swap3A_350] {strides = array<i32>} : memref<2x128xi32, #tpu.memory_space<vmem>>, vector<16xi32>,
      tpu.vector_store %arg15[%swap3A_349, %swap3A_350], %get3A_348 {strides = array<i32>} : memref<2x128xi32, #tpu.memory_space<vmem>>, vector<16xi32>,
      %dma_start3A = arith.constant 0 : i32
      %dma_start3A_352 = arith.constant 0 : i32
      %dma_start3A_353 = tpu.memref_slice %arg12[%rem3A_257, %dma_start3A, %dma_start3A_352] : memref<2x128x128xf32, #tpu.memory_space<vmem>> -> memref<1x128x128xf32, #tpu.memory_space<vmem>>
      %dma_start3A_354 = tpu.memref_squeeze %dma_start3A_353 : memref<1x128x128xf32, #tpu.memory_space<vmem>> -> memref<128x128xf32, #tpu.memory_space<vmem>>
      %dma_start3A_355 = arith.constant 0 : i32
      %dma_start3A_356 = tpu.memref_slice %arg15[%rem3A_257, %dma_start3A_355] : memref<2x128xi32, #tpu.memory_space<vmem>> -> memref<1x128xi32, #tpu.memory_space<vmem>>
      %dma_start3A_357 = tpu.memref_squeeze %dma_start3A_356 : memref<1x128xi32, #tpu.memory_space<vmem>> -> memref<128xi32, #tpu.memory_space<vmem>>
      %dma_start3A_358 = arith.constant 0 : i32
      %dma_start3A_359 = arith.constant 0 : i32
      %dma_start3A_360 = tpu.memref_slice %arg18[%dma_start3A_358, %dma_start3A_359] : memref<5120x128xf32, #tpu.memory_space<vmem_shared>> -> memref<5120x128xf32, #tpu.memory_space<vmem_shared>>
      %dma_start3A_361 = arith.constant -1 : i32
      %dma_start3A_362 = tpu.memref_slice %arg17[%rem3A_257] : memref<2x!tpu.dma_semaphore, #tpu.memory_space<semaphore_mem>> -> memref<1x!tpu.dma_semaphore, #tpu.memory_space<semaphore_mem>>
      %dma_start3A_363 = tpu.memref_squeeze %dma_start3A_362 : memref<1x!tpu.dma_semaphore, #tpu.memory_space<semaphore_mem>> -> memref<!tpu.dma_semaphore, #tpu.memory_space<semaphore_mem>>
      tpu.enqueue_indirect_dma source(%dma_start3A_354 : memref<128x128xf32, #tpu.memory_space<vmem>>) target(%dma_start3A_360 : memref<5120x128xf32, #tpu.memory_space<vmem_shared>>) offsets(%dma_start3A_357 : memref<128xi32, #tpu.memory_space<vmem>>) offset_filter(%dma_start3A_361) semaphore(%dma_start3A_363 : memref<!tpu.dma_semaphore, #tpu.memory_space<semaphore_mem>>) {add = true}
      %while3A_364 = arith.constant 0 : i32
      scf.yield %while3A_364 : i32
    }
    %while3A_241 = arith.constant 1 : i32
    %while3A_242 = scf.for %while3A_255 = %while3A_238 to %while3A_234 step %while3A_241 iter_args(%while3A_256 = %while3A_240) -> (i32)  : i32 {
      %rem3A = arith.constant 2 : i32
      %rem3A_257 = arith.remsi %while3A_255, %rem3A : i32
      %sub3A_258 = arith.constant 1 : i32
      %sub3A_259 = arith.subi %sub3A_258, %rem3A_257 : i32
      %ge3A = arith.constant 1 : i32
      %ge3A_260 = arith.cmpi sge, %while3A_255, %ge3A : i32
      %convert_element_type3A_261 = arith.extui %ge3A_260 : i1 to i32
      %cond3A_262 = arith.constant 0 : i32
      %cond3A_263 = arith.cmpi ne, %convert_element_type3A_261, %cond3A_262 : i32
      scf.if %cond3A_263 {
        %dma_wait3A_365 = arith.constant 0 : i32
        %dma_wait3A_366 = arith.constant 0 : i32
        %dma_wait3A_367 = tpu.memref_slice %arg12[%sub3A_259, %dma_wait3A_365, %dma_wait3A_366] : memref<2x128x128xf32, #tpu.memory_space<vmem>> -> memref<1x128x128xf32, #tpu.memory_space<vmem>>
        %dma_wait3A_368 = tpu.memref_squeeze %dma_wait3A_367 : memref<1x128x128xf32, #tpu.memory_space<vmem>> -> memref<128x128xf32, #tpu.memory_space<vmem>>
        %dma_wait3A_369 = arith.constant 0 : i32
        %dma_wait3A_370 = tpu.memref_slice %arg15[%sub3A_259, %dma_wait3A_369] : memref<2x128xi32, #tpu.memory_space<vmem>> -> memref<1x128xi32, #tpu.memory_space<vmem>>
        %dma_wait3A_371 = tpu.memref_squeeze %dma_wait3A_370 : memref<1x128xi32, #tpu.memory_space<vmem>> -> memref<128xi32, #tpu.memory_space<vmem>>
        %dma_wait3A_372 = arith.constant 0 : i32
        %dma_wait3A_373 = arith.constant 0 : i32
        %dma_wait3A_374 = tpu.memref_slice %arg18[%dma_wait3A_372, %dma_wait3A_373] : memref<5120x128xf32, #tpu.memory_space<vmem_shared>> -> memref<5120x128xf32, #tpu.memory_space<vmem_shared>>
        %dma_wait3A_375 = tpu.memref_slice %arg17[%sub3A_259] : memref<2x!tpu.dma_semaphore, #tpu.memory_space<semaphore_mem>> -> memref<1x!tpu.dma_semaphore, #tpu.memory_space<semaphore_mem>>
        %dma_wait3A_376 = tpu.memref_squeeze %dma_wait3A_375 : memref<1x!tpu.dma_semaphore, #tpu.memory_space<semaphore_mem>> -> memref<!tpu.dma_semaphore, #tpu.memory_space<semaphore_mem>>
        tpu.wait_indirect_dma semaphore(%dma_wait3A_376 : memref<!tpu.dma_semaphore, #tpu.memory_space<semaphore_mem>>) src(%dma_wait3A_368 : memref<128x128xf32, #tpu.memory_space<vmem>>) dst(%dma_wait3A_374 : memref<5120x128xf32, #tpu.memory_space<vmem_shared>>)
      } else {
      }
      %add3A_264 = arith.constant 1 : i32
      %add3A_265 = arith.addi %while3A_255, %add3A_264 : i32
      %lt3A = arith.cmpi slt, %add3A_265, %div3A_227 : i32
      %convert_element_type3A_266 = arith.extui %lt3A : i1 to i32
      %cond3A_267 = arith.constant 0 : i32
      %cond3A_268 = arith.cmpi ne, %convert_element_type3A_266, %cond3A_267 : i32
      scf.if %cond3A_268 {
        %add3A_365 = arith.constant 1 : i32
        %add3A_366 = arith.addi %while3A_255, %add3A_365 : i32
        %mul3A_367 = arith.constant 128 : i32
        %mul3A_368 = arith.muli %add3A_366, %mul3A_367 : i32
        %dma_start3A_369 = arith.constant 0 : i32
        %dma_start3A_370 = arith.constant 0 : i32
        %dma_start3A_371 = tpu.memref_slice %arg12[%sub3A_259, %dma_start3A_369, %dma_start3A_370] : memref<2x128x128xf32, #tpu.memory_space<vmem>> -> memref<1x128x128xf32, #tpu.memory_space<vmem>>
        %dma_start3A_372 = tpu.memref_squeeze %dma_start3A_371 : memref<1x128x128xf32, #tpu.memory_space<vmem>> -> memref<128x128xf32, #tpu.memory_space<vmem>>
        %dma_start3A_373 = tpu.memref_slice %arg10[%mul3A_368] : memref<20608xi32, #tpu.memory_space<vmem>> -> memref<128xi32, #tpu.memory_space<vmem>>
        %dma_start3A_374 = arith.constant 0 : i32
        %dma_start3A_375 = arith.constant 0 : i32
        %dma_start3A_376 = tpu.memref_slice %arg3[%dma_start3A_374, %dma_start3A_375] : memref<10000x128xf32, #tpu.memory_space<hbm>> -> memref<10000x128xf32, #tpu.memory_space<hbm>>
        %dma_start3A_377 = arith.constant -1 : i32
        %dma_start3A_378 = tpu.memref_slice %arg16[%sub3A_259] : memref<2x!tpu.dma_semaphore, #tpu.memory_space<semaphore_mem>> -> memref<1x!tpu.dma_semaphore, #tpu.memory_space<semaphore_mem>>
        %dma_start3A_379 = tpu.memref_squeeze %dma_start3A_378 : memref<1x!tpu.dma_semaphore, #tpu.memory_space<semaphore_mem>> -> memref<!tpu.dma_semaphore, #tpu.memory_space<semaphore_mem>>
        tpu.enqueue_indirect_dma source(%dma_start3A_376 : memref<10000x128xf32, #tpu.memory_space<hbm>>) target(%dma_start3A_372 : memref<128x128xf32, #tpu.memory_space<vmem>>) offsets(%dma_start3A_373 : memref<128xi32, #tpu.memory_space<vmem>>) offset_filter(%dma_start3A_377) semaphore(%dma_start3A_379 : memref<!tpu.dma_semaphore, #tpu.memory_space<semaphore_mem>>)
      } else {
      }
      %mul3A_269 = arith.constant 128 : i32
      %mul3A_270 = arith.muli %while3A_255, %mul3A_269 : i32
      %dma_wait3A = arith.constant 0 : i32
      %dma_wait3A_271 = arith.constant 0 : i32
      %dma_wait3A_272 = tpu.memref_slice %arg12[%rem3A_257, %dma_wait3A, %dma_wait3A_271] : memref<2x128x128xf32, #tpu.memory_space<vmem>> -> memref<1x128x128xf32, #tpu.memory_space<vmem>>
      %dma_wait3A_273 = tpu.memref_squeeze %dma_wait3A_272 : memref<1x128x128xf32, #tpu.memory_space<vmem>> -> memref<128x128xf32, #tpu.memory_space<vmem>>
      %dma_wait3A_274 = tpu.memref_slice %arg10[%mul3A_270] : memref<20608xi32, #tpu.memory_space<vmem>> -> memref<128xi32, #tpu.memory_space<vmem>>
      %dma_wait3A_275 = arith.constant 0 : i32
      %dma_wait3A_276 = arith.constant 0 : i32
      %dma_wait3A_277 = tpu.memref_slice %arg3[%dma_wait3A_275, %dma_wait3A_276] : memref<10000x128xf32, #tpu.memory_space<hbm>> -> memref<10000x128xf32, #tpu.memory_space<hbm>>
      %dma_wait3A_278 = tpu.memref_slice %arg16[%rem3A_257] : memref<2x!tpu.dma_semaphore, #tpu.memory_space<semaphore_mem>> -> memref<1x!tpu.dma_semaphore, #tpu.memory_space<semaphore_mem>>
      %dma_wait3A_279 = tpu.memref_squeeze %dma_wait3A_278 : memref<1x!tpu.dma_semaphore, #tpu.memory_space<semaphore_mem>> -> memref<!tpu.dma_semaphore, #tpu.memory_space<semaphore_mem>>
      tpu.wait_indirect_dma semaphore(%dma_wait3A_279 : memref<!tpu.dma_semaphore, #tpu.memory_space<semaphore_mem>>) src(%dma_wait3A_277 : memref<10000x128xf32, #tpu.memory_space<hbm>>) dst(%dma_wait3A_273 : memref<128x128xf32, #tpu.memory_space<vmem>>)
      %mul3A_280 = arith.constant 128 : i32
      %mul3A_281 = arith.muli %while3A_255, %mul3A_280 : i32
      %add3A_282 = arith.constant 0 : i32
      %add3A_283 = arith.addi %mul3A_281, %add3A_282 : i32
      %get3A_284 = arith.index_cast %add3A_283 : i32 to index
      %get3A_285 = tpu.vector_load %arg9[%get3A_284] {strides = array<i32>} : memref<20608xi32, #tpu.memory_space<vmem>>, vector<16xi32>,
      %swap3A_286 = arith.index_cast %rem3A_257 : i32 to index
      %swap3A_287 = arith.constant 0 : index
      %swap3A_288 = tpu.vector_load %arg15[%swap3A_286, %swap3A_287] {strides = array<i32>} : memref<2x128xi32, #tpu.memory_space<vmem>>, vector<16xi32>,
      tpu.vector_store %arg15[%swap3A_286, %swap3A_287], %get3A_285 {strides = array<i32>} : memref<2x128xi32, #tpu.memory_space<vmem>>, vector<16xi32>,
      %mul3A_289 = arith.constant 128 : i32
      %mul3A_290 = arith.muli %while3A_255, %mul3A_289 : i32
      %add3A_291 = arith.constant 16 : i32
      %add3A_292 = arith.addi %mul3A_290, %add3A_291 : i32
      %get3A_293 = arith.index_cast %add3A_292 : i32 to index
      %get3A_294 = tpu.vector_load %arg9[%get3A_293] {strides = array<i32>} : memref<20608xi32, #tpu.memory_space<vmem>>, vector<16xi32>,
      %swap3A_295 = arith.index_cast %rem3A_257 : i32 to index
      %swap3A_296 = arith.constant 16 : index
      %swap3A_297 = tpu.vector_load %arg15[%swap3A_295, %swap3A_296] {strides = array<i32>} : memref<2x128xi32, #tpu.memory_space<vmem>>, vector<16xi32>,
      tpu.vector_store %arg15[%swap3A_295, %swap3A_296], %get3A_294 {strides = array<i32>} : memref<2x128xi32, #tpu.memory_space<vmem>>, vector<16xi32>,
      %mul3A_298 = arith.constant 128 : i32
      %mul3A_299 = arith.muli %while3A_255, %mul3A_298 : i32
      %add3A_300 = arith.constant 32 : i32
      %add3A_301 = arith.addi %mul3A_299, %add3A_300 : i32
      %get3A_302 = arith.index_cast %add3A_301 : i32 to index
      %get3A_303 = tpu.vector_load %arg9[%get3A_302] {strides = array<i32>} : memref<20608xi32, #tpu.memory_space<vmem>>, vector<16xi32>,
      %swap3A_304 = arith.index_cast %rem3A_257 : i32 to index
      %swap3A_305 = arith.constant 32 : index
      %swap3A_306 = tpu.vector_load %arg15[%swap3A_304, %swap3A_305] {strides = array<i32>} : memref<2x128xi32, #tpu.memory_space<vmem>>, vector<16xi32>,
      tpu.vector_store %arg15[%swap3A_304, %swap3A_305], %get3A_303 {strides = array<i32>} : memref<2x128xi32, #tpu.memory_space<vmem>>, vector<16xi32>,
      %mul3A_307 = arith.constant 128 : i32
      %mul3A_308 = arith.muli %while3A_255, %mul3A_307 : i32
      %add3A_309 = arith.constant 48 : i32
      %add3A_310 = arith.addi %mul3A_308, %add3A_309 : i32
      %get3A_311 = arith.index_cast %add3A_310 : i32 to index
      %get3A_312 = tpu.vector_load %arg9[%get3A_311] {strides = array<i32>} : memref<20608xi32, #tpu.memory_space<vmem>>, vector<16xi32>,
      %swap3A_313 = arith.index_cast %rem3A_257 : i32 to index
      %swap3A_314 = arith.constant 48 : index
      %swap3A_315 = tpu.vector_load %arg15[%swap3A_313, %swap3A_314] {strides = array<i32>} : memref<2x128xi32, #tpu.memory_space<vmem>>, vector<16xi32>,
      tpu.vector_store %arg15[%swap3A_313, %swap3A_314], %get3A_312 {strides = array<i32>} : memref<2x128xi32, #tpu.memory_space<vmem>>, vector<16xi32>,
      %mul3A_316 = arith.constant 128 : i32
      %mul3A_317 = arith.muli %while3A_255, %mul3A_316 : i32
      %add3A_318 = arith.constant 64 : i32
      %add3A_319 = arith.addi %mul3A_317, %add3A_318 : i32
      %get3A_320 = arith.index_cast %add3A_319 : i32 to index
      %get3A_321 = tpu.vector_load %arg9[%get3A_320] {strides = array<i32>} : memref<20608xi32, #tpu.memory_space<vmem>>, vector<16xi32>,
      %swap3A_322 = arith.index_cast %rem3A_257 : i32 to index
      %swap3A_323 = arith.constant 64 : index
      %swap3A_324 = tpu.vector_load %arg15[%swap3A_322, %swap3A_323] {strides = array<i32>} : memref<2x128xi32, #tpu.memory_space<vmem>>, vector<16xi32>,
      tpu.vector_store %arg15[%swap3A_322, %swap3A_323], %get3A_321 {strides = array<i32>} : memref<2x128xi32, #tpu.memory_space<vmem>>, vector<16xi32>,
      %mul3A_325 = arith.constant 128 : i32
      %mul3A_326 = arith.muli %while3A_255, %mul3A_325 : i32
      %add3A_327 = arith.constant 80 : i32
      %add3A_328 = arith.addi %mul3A_326, %add3A_327 : i32
      %get3A_329 = arith.index_cast %add3A_328 : i32 to index
      %get3A_330 = tpu.vector_load %arg9[%get3A_329] {strides = array<i32>} : memref<20608xi32, #tpu.memory_space<vmem>>, vector<16xi32>,
      %swap3A_331 = arith.index_cast %rem3A_257 : i32 to index
      %swap3A_332 = arith.constant 80 : index
      %swap3A_333 = tpu.vector_load %arg15[%swap3A_331, %swap3A_332] {strides = array<i32>} : memref<2x128xi32, #tpu.memory_space<vmem>>, vector<16xi32>,
      tpu.vector_store %arg15[%swap3A_331, %swap3A_332], %get3A_330 {strides = array<i32>} : memref<2x128xi32, #tpu.memory_space<vmem>>, vector<16xi32>,
      %mul3A_334 = arith.constant 128 : i32
      %mul3A_335 = arith.muli %while3A_255, %mul3A_334 : i32
      %add3A_336 = arith.constant 96 : i32
      %add3A_337 = arith.addi %mul3A_335, %add3A_336 : i32
      %get3A_338 = arith.index_cast %add3A_337 : i32 to index
      %get3A_339 = tpu.vector_load %arg9[%get3A_338] {strides = array<i32>} : memref<20608xi32, #tpu.memory_space<vmem>>, vector<16xi32>,
      %swap3A_340 = arith.index_cast %rem3A_257 : i32 to index
      %swap3A_341 = arith.constant 96 : index
      %swap3A_342 = tpu.vector_load %arg15[%swap3A_340, %swap3A_341] {strides = array<i32>} : memref<2x128xi32, #tpu.memory_space<vmem>>, vector<16xi32>,
      tpu.vector_store %arg15[%swap3A_340, %swap3A_341], %get3A_339 {strides = array<i32>} : memref<2x128xi32, #tpu.memory_space<vmem>>, vector<16xi32>,
      %mul3A_343 = arith.constant 128 : i32
      %mul3A_344 = arith.muli %while3A_255, %mul3A_343 : i32
      %add3A_345 = arith.constant 112 : i32
      %add3A_346 = arith.addi %mul3A_344, %add3A_345 : i32
      %get3A_347 = arith.index_cast %add3A_346 : i32 to index
      %get3A_348 = tpu.vector_load %arg9[%get3A_347] {strides = array<i32>} : memref<20608xi32, #tpu.memory_space<vmem>>, vector<16xi32>,
      %swap3A_349 = arith.index_cast %rem3A_257 : i32 to index
      %swap3A_350 = arith.constant 112 : index
      %swap3A_351 = tpu.vector_load %arg15[%swap3A_349, %swap3A_350] {strides = array<i32>} : memref<2x128xi32, #tpu.memory_space<vmem>>, vector<16xi32>,
      tpu.vector_store %arg15[%swap3A_349, %swap3A_350], %get3A_348 {strides = array<i32>} : memref<2x128xi32, #tpu.memory_space<vmem>>, vector<16xi32>,
      %dma_start3A = arith.constant 0 : i32
      %dma_start3A_352 = arith.constant 0 : i32
      %dma_start3A_353 = tpu.memref_slice %arg12[%rem3A_257, %dma_start3A, %dma_start3A_352] : memref<2x128x128xf32, #tpu.memory_space<vmem>> -> memref<1x128x128xf32, #tpu.memory_space<vmem>>
      %dma_start3A_354 = tpu.memref_squeeze %dma_start3A_353 : memref<1x128x128xf32, #tpu.memory_space<vmem>> -> memref<128x128xf32, #tpu.memory_space<vmem>>
      %dma_start3A_355 = arith.constant 0 : i32
      %dma_start3A_356 = tpu.memref_slice %arg15[%rem3A_257, %dma_start3A_355] : memref<2x128xi32, #tpu.memory_space<vmem>> -> memref<1x128xi32, #tpu.memory_space<vmem>>
      %dma_start3A_357 = tpu.memref_squeeze %dma_start3A_356 : memref<1x128xi32, #tpu.memory_space<vmem>> -> memref<128xi32, #tpu.memory_space<vmem>>
      %dma_start3A_358 = arith.constant 0 : i32
      %dma_start3A_359 = arith.constant 0 : i32
      %dma_start3A_360 = tpu.memref_slice %arg18[%dma_start3A_358, %dma_start3A_359] : memref<5120x128xf32, #tpu.memory_space<vmem_shared>> -> memref<5120x128xf32, #tpu.memory_space<vmem_shared>>
      %dma_start3A_361 = arith.constant -1 : i32
      %dma_start3A_362 = tpu.memref_slice %arg17[%rem3A_257] : memref<2x!tpu.dma_semaphore, #tpu.memory_space<semaphore_mem>> -> memref<1x!tpu.dma_semaphore, #tpu.memory_space<semaphore_mem>>
      %dma_start3A_363 = tpu.memref_squeeze %dma_start3A_362 : memref<1x!tpu.dma_semaphore, #tpu.memory_space<semaphore_mem>> -> memref<!tpu.dma_semaphore, #tpu.memory_space<semaphore_mem>>
      tpu.enqueue_indirect_dma source(%dma_start3A_354 : memref<128x128xf32, #tpu.memory_space<vmem>>) target(%dma_start3A_360 : memref<5120x128xf32, #tpu.memory_space<vmem_shared>>) offsets(%dma_start3A_357 : memref<128xi32, #tpu.memory_space<vmem>>) offset_filter(%dma_start3A_361) semaphore(%dma_start3A_363 : memref<!tpu.dma_semaphore, #tpu.memory_space<semaphore_mem>>) {add = true}
      %while3A_364 = arith.constant 0 : i32
      scf.yield %while3A_364 : i32
    }
    %gt3A_243 = arith.constant 0 : i32
    %gt3A_244 = arith.cmpi sgt, %div3A_227, %gt3A_243 : i32
    %convert_element_type3A_245 = arith.extui %gt3A_244 : i1 to i32
    %cond3A_246 = arith.constant 0 : i32
    %cond3A_247 = arith.cmpi ne, %convert_element_type3A_245, %cond3A_246 : i32
    scf.if %cond3A_247 {
      %sub3A_255 = arith.constant 1 : i32
      %sub3A_256 = arith.subi %div3A_227, %sub3A_255 : i32
      %rem3A = arith.constant 2 : i32
      %rem3A_257 = arith.remsi %sub3A_256, %rem3A : i32
      %dma_wait3A = arith.constant 0 : i32
      %dma_wait3A_258 = arith.constant 0 : i32
      %dma_wait3A_259 = tpu.memref_slice %arg12[%rem3A_257, %dma_wait3A, %dma_wait3A_258] : memref<2x128x128xf32, #tpu.memory_space<vmem>> -> memref<1x128x128xf32, #tpu.memory_space<vmem>>
      %dma_wait3A_260 = tpu.memref_squeeze %dma_wait3A_259 : memref<1x128x128xf32, #tpu.memory_space<vmem>> -> memref<128x128xf32, #tpu.memory_space<vmem>>
      %dma_wait3A_261 = arith.constant 0 : i32
      %dma_wait3A_262 = tpu.memref_slice %arg15[%rem3A_257, %dma_wait3A_261] : memref<2x128xi32, #tpu.memory_space<vmem>> -> memref<1x128xi32, #tpu.memory_space<vmem>>
      %dma_wait3A_263 = tpu.memref_squeeze %dma_wait3A_262 : memref<1x128xi32, #tpu.memory_space<vmem>> -> memref<128xi32, #tpu.memory_space<vmem>>
      %dma_wait3A_264 = arith.constant 0 : i32
      %dma_wait3A_265 = arith.constant 0 : i32
      %dma_wait3A_266 = tpu.memref_slice %arg18[%dma_wait3A_264, %dma_wait3A_265] : memref<5120x128xf32, #tpu.memory_space<vmem_shared>> -> memref<5120x128xf32, #tpu.memory_space<vmem_shared>>
      %dma_wait3A_267 = tpu.memref_slice %arg17[%rem3A_257] : memref<2x!tpu.dma_semaphore, #tpu.memory_space<semaphore_mem>> -> memref<1x!tpu.dma_semaphore, #tpu.memory_space<semaphore_mem>>
      %dma_wait3A_268 = tpu.memref_squeeze %dma_wait3A_267 : memref<1x!tpu.dma_semaphore, #tpu.memory_space<semaphore_mem>> -> memref<!tpu.dma_semaphore, #tpu.memory_space<semaphore_mem>>
      tpu.wait_indirect_dma semaphore(%dma_wait3A_268 : memref<!tpu.dma_semaphore, #tpu.memory_space<semaphore_mem>>) src(%dma_wait3A_260 : memref<128x128xf32, #tpu.memory_space<vmem>>) dst(%dma_wait3A_266 : memref<5120x128xf32, #tpu.memory_space<vmem_shared>>)
    } else {
    }
    %run_scoped3A_248 = arith.constant 0 : i32
    "tpu.region"() ({
      %run_scoped3A_255 = tpu.sem_alloc : memref<!tpu.dma_semaphore, #tpu.memory_space<semaphore_mem>>
      %dma_start3A = arith.constant 0 : i32
      %dma_start3A_256 = tpu.memref_slice %arg14[%run_scoped3A_248, %dma_start3A] : memref<1x40xi32, #tpu.memory_space<vmem>> -> memref<1x40xi32, #tpu.memory_space<vmem>>
      %dma_start3A_257 = tpu.memref_squeeze %dma_start3A_256 : memref<1x40xi32, #tpu.memory_space<vmem>> -> memref<40xi32, #tpu.memory_space<vmem>>
      %dma_start3A_258 = arith.constant 0 : i32
      %dma_start3A_259 = arith.constant 0 : i32
      %dma_start3A_260 = tpu.memref_slice %arg19[%dma_start3A_258, %dma_start3A_259] : memref<40x128xf32, #tpu.memory_space<vmem_shared>> -> memref<40x128xf32, #tpu.memory_space<vmem_shared>>
      tpu.enqueue_indirect_dma source(%arg13 : memref<40x128xf32, #tpu.memory_space<vmem>>) target(%dma_start3A_260 : memref<40x128xf32, #tpu.memory_space<vmem_shared>>) offsets(%dma_start3A_257 : memref<40xi32, #tpu.memory_space<vmem>>) semaphore(%run_scoped3A_255 : memref<!tpu.dma_semaphore, #tpu.memory_space<semaphore_mem>>) {add = true}
      %dma_wait3A = arith.constant 0 : i32
      %dma_wait3A_261 = tpu.memref_slice %arg14[%run_scoped3A_248, %dma_wait3A] : memref<1x40xi32, #tpu.memory_space<vmem>> -> memref<1x40xi32, #tpu.memory_space<vmem>>
      %dma_wait3A_262 = tpu.memref_squeeze %dma_wait3A_261 : memref<1x40xi32, #tpu.memory_space<vmem>> -> memref<40xi32, #tpu.memory_space<vmem>>
      %dma_wait3A_263 = arith.constant 0 : i32
      %dma_wait3A_264 = arith.constant 0 : i32
      %dma_wait3A_265 = tpu.memref_slice %arg19[%dma_wait3A_263, %dma_wait3A_264] : memref<40x128xf32, #tpu.memory_space<vmem_shared>> -> memref<40x128xf32, #tpu.memory_space<vmem_shared>>
      tpu.wait_indirect_dma semaphore(%run_scoped3A_255 : memref<!tpu.dma_semaphore, #tpu.memory_space<semaphore_mem>>) src(%arg13 : memref<40x128xf32, #tpu.memory_space<vmem>>) dst(%dma_wait3A_265 : memref<40x128xf32, #tpu.memory_space<vmem_shared>>)
      tpu.yield
    }) : () -> ()
    %barrier3A_249 = arith.constant 0 : index
    tpu.barrier barrier_id(%barrier3A_249)
    "tpu.region"() ({
      %run_scoped3A_255 = tpu.sem_alloc : memref<!tpu.dma_semaphore, #tpu.memory_space<semaphore_mem>>
      %dma_start3A = arith.constant 0 : i32
      %dma_start3A_256 = tpu.memref_slice %arg7[%arg0, %mul3A_21, %dma_start3A] : memref<2x5120x128xf32, #tpu.memory_space<hbm>> -> memref<1x320x128xf32, #tpu.memory_space<hbm>>
      %dma_start3A_257 = tpu.memref_squeeze %dma_start3A_256 : memref<1x320x128xf32, #tpu.memory_space<hbm>> -> memref<320x128xf32, #tpu.memory_space<hbm>>
      %dma_start3A_258 = arith.constant 0 : i32
      %dma_start3A_259 = tpu.memref_slice %arg18[%mul3A_21, %dma_start3A_258] : memref<5120x128xf32, #tpu.memory_space<vmem_shared>> -> memref<320x128xf32, #tpu.memory_space<vmem_shared>>
      tpu.enqueue_dma source(%dma_start3A_259 : memref<320x128xf32, #tpu.memory_space<vmem_shared>>) target(%dma_start3A_257 : memref<320x128xf32, #tpu.memory_space<hbm>>) target_semaphore(%run_scoped3A_255 : memref<!tpu.dma_semaphore, #tpu.memory_space<semaphore_mem>>)
      %dma_wait3A = arith.constant 0 : i32
      %dma_wait3A_260 = tpu.memref_slice %arg7[%arg0, %mul3A_21, %dma_wait3A] : memref<2x5120x128xf32, #tpu.memory_space<hbm>> -> memref<1x320x128xf32, #tpu.memory_space<hbm>>
      %dma_wait3A_261 = tpu.memref_squeeze %dma_wait3A_260 : memref<1x320x128xf32, #tpu.memory_space<hbm>> -> memref<320x128xf32, #tpu.memory_space<hbm>>
      %dma_wait3A_262 = arith.constant 0 : i32
      %dma_wait3A_263 = tpu.memref_slice %arg18[%mul3A_21, %dma_wait3A_262] : memref<5120x128xf32, #tpu.memory_space<vmem_shared>> -> memref<320x128xf32, #tpu.memory_space<vmem_shared>>
      tpu.wait_dma2 semaphore(%run_scoped3A_255 : memref<!tpu.dma_semaphore, #tpu.memory_space<semaphore_mem>>) src(%dma_wait3A_263 : memref<320x128xf32, #tpu.memory_space<vmem_shared>>) dst(%dma_wait3A_261 : memref<320x128xf32, #tpu.memory_space<hbm>>)
      tpu.yield
    }) : () -> ()
    %eq3A_250 = arith.constant 0 : i32
    %eq3A_251 = arith.cmpi eq, %arg1, %eq3A_250 : i32
    %convert_element_type3A_252 = arith.extui %eq3A_251 : i1 to i32
    %cond3A_253 = arith.constant 0 : i32
    %cond3A_254 = arith.cmpi ne, %convert_element_type3A_252, %cond3A_253 : i32
    scf.if %cond3A_254 {
      "tpu.region"() ({
        %run_scoped3A_255 = tpu.sem_alloc : memref<!tpu.dma_semaphore, #tpu.memory_space<semaphore_mem>>
        %dma_start3A = arith.constant 0 : i32
        %dma_start3A_256 = arith.constant 0 : i32
        %dma_start3A_257 = tpu.memref_slice %arg8[%arg0, %dma_start3A, %dma_start3A_256] : memref<2x40x128xf32, #tpu.memory_space<hbm>> -> memref<1x40x128xf32, #tpu.memory_space<hbm>>
        %dma_start3A_258 = tpu.memref_squeeze %dma_start3A_257 : memref<1x40x128xf32, #tpu.memory_space<hbm>> -> memref<40x128xf32, #tpu.memory_space<hbm>>
        tpu.enqueue_dma source(%arg19 : memref<40x128xf32, #tpu.memory_space<vmem_shared>>) target(%dma_start3A_258 : memref<40x128xf32, #tpu.memory_space<hbm>>) target_semaphore(%run_scoped3A_255 : memref<!tpu.dma_semaphore, #tpu.memory_space<semaphore_mem>>)
        %dma_wait3A = arith.constant 0 : i32
        %dma_wait3A_259 = arith.constant 0 : i32
        %dma_wait3A_260 = tpu.memref_slice %arg8[%arg0, %dma_wait3A, %dma_wait3A_259] : memref<2x40x128xf32, #tpu.memory_space<hbm>> -> memref<1x40x128xf32, #tpu.memory_space<hbm>>
        %dma_wait3A_261 = tpu.memref_squeeze %dma_wait3A_260 : memref<1x40x128xf32, #tpu.memory_space<hbm>> -> memref<40x128xf32, #tpu.memory_space<hbm>>
        tpu.wait_dma2 semaphore(%run_scoped3A_255 : memref<!tpu.dma_semaphore, #tpu.memory_space<semaphore_mem>>) src(%arg19 : memref<40x128xf32, #tpu.memory_space<vmem_shared>>) dst(%dma_wait3A_261 : memref<40x128xf32, #tpu.memory_space<hbm>>)
        tpu.yield
      }) : () -> ()
    } else {
    }
    return
  }
}

module attributes {stable_mosaic.version = 14 : i64} {
  func.func @_tc_q_body(%arg0: i32, %arg1: memref<1000x128xf32, #tpu.memory_space<vmem>>, %arg2: memref<1000x8xf32, #tpu.memory_space<vmem>>, %arg3: memref<1x64xf32, #tpu.memory_space<vmem>>, %arg4: memref<8x64xf32, #tpu.memory_space<vmem>>, %arg5: memref<256x128xf32, #tpu.memory_space<vmem>>, %arg6: memref<1000x128xf32, #tpu.memory_space<vmem>>) attributes {dimension_semantics = [#tpu.dimension_semantics<arbitrary>], iteration_bounds = array<i64: 10>, scalar_prefetch = 0 : i64, scratch_operands = 0 : i64, tpu.core_type = #tpu.core_type<tc>, window_params = [{transform_indices = @transform_0, window_bounds = array<i64: 1000, 128>}, {transform_indices = @transform_1, window_bounds = array<i64: 1000, 8>}, {pipeline_mode = #tpu.pipeline_mode<synchronous>, transform_indices = @transform_2, window_bounds = array<i64: 1, 64>}, {pipeline_mode = #tpu.pipeline_mode<synchronous>, transform_indices = @transform_3, window_bounds = array<i64: 8, 64>}, {pipeline_mode = #tpu.pipeline_mode<synchronous>, transform_indices = @transform_4, window_bounds = array<i64: 256, 128>}, {transform_indices = @transform_5, window_bounds = array<i64: 1000, 128>}]} {
    %get3A = arith.constant 0 : index
    %get3A_0 = arith.constant 0 : index
    %get3A_1 = vector.load %arg5[%get3A, %get3A_0] : memref<256x128xf32, #tpu.memory_space<vmem>>, vector<128x128xf32>
    %get3A_2 = arith.constant 128 : index
    %get3A_3 = arith.constant 0 : index
    %get3A_4 = vector.load %arg5[%get3A_2, %get3A_3] : memref<256x128xf32, #tpu.memory_space<vmem>>, vector<64x128xf32>
    %get3A_5 = arith.constant 0 : index
    %get3A_6 = arith.constant 0 : index
    %get3A_7 = vector.load %arg2[%get3A_5, %get3A_6] : memref<1000x8xf32, #tpu.memory_space<vmem>>, vector<1000x8xf32>
    %get3A_8 = arith.constant 0 : index
    %get3A_9 = arith.constant 0 : index
    %get3A_10 = vector.load %arg4[%get3A_8, %get3A_9] : memref<8x64xf32, #tpu.memory_space<vmem>>, vector<8x64xf32>
    %dot_general3A = arith.constant dense<0.000000e+00> : vector<1000x64xf32>
    %dot_general3A_11 = tpu.matmul %get3A_7, %get3A_10, %dot_general3A {dimension_numbers = #tpu.dot_dimension_numbers<[1], [0], [0], [1], [0, 0, 1, 1], [], []>, transpose_lhs_hint = false} : vector<1000x8xf32>, vector<8x64xf32>, vector<1000x64xf32> -> vector<1000x64xf32>
    %get3A_12 = arith.constant 0 : index
    %get3A_13 = arith.constant 0 : index
    %get3A_14 = vector.load %arg1[%get3A_12, %get3A_13] : memref<1000x128xf32, #tpu.memory_space<vmem>>, vector<1000x128xf32>
    %dot_general3A_15 = arith.constant dense<0.000000e+00> : vector<1000x128xf32>
    %dot_general3A_16 = tpu.matmul %get3A_14, %get3A_1, %dot_general3A_15 {dimension_numbers = #tpu.dot_dimension_numbers<[1], [0], [0], [1], [0, 0, 1, 1], [], []>, transpose_lhs_hint = false} : vector<1000x128xf32>, vector<128x128xf32>, vector<1000x128xf32> -> vector<1000x128xf32>
    %get3A_17 = arith.constant 0 : index
    %get3A_18 = arith.constant 0 : index
    %get3A_19 = vector.load %arg3[%get3A_17, %get3A_18] : memref<1x64xf32, #tpu.memory_space<vmem>>, vector<1x64xf32>
    %add3A = vector.broadcast %get3A_19 : vector<1x64xf32> to vector<1000x64xf32>
    %add3A_20 = arith.addf %add3A, %dot_general3A_11 : vector<1000x64xf32>
    %dot_general3A_21 = arith.constant dense<0.000000e+00> : vector<1000x128xf32>
    %dot_general3A_22 = tpu.matmul %add3A_20, %get3A_4, %dot_general3A_21 {dimension_numbers = #tpu.dot_dimension_numbers<[1], [0], [0], [1], [0, 0, 1, 1], [], []>, transpose_lhs_hint = false} : vector<1000x64xf32>, vector<64x128xf32>, vector<1000x128xf32> -> vector<1000x128xf32>
    %add3A_23 = arith.addf %dot_general3A_16, %dot_general3A_22 : vector<1000x128xf32>
    %swap3A = arith.constant 0 : index
    %swap3A_24 = arith.constant 0 : index
    %swap3A_25 = vector.load %arg6[%swap3A, %swap3A_24] : memref<1000x128xf32, #tpu.memory_space<vmem>>, vector<1000x128xf32>
    tpu.vector_store %arg6[%swap3A, %swap3A_24], %add3A_23 {strides = array<i32>} : memref<1000x128xf32, #tpu.memory_space<vmem>>, vector<1000x128xf32>,
    return
  }
  func.func @transform_0(%arg0: i32) -> (i32, i32) {
    %c0_i32 = arith.constant 0 : i32
    %c0_i32_0 = arith.constant 0 : i32
    return %arg0, %c0_i32 : i32, i32
  }
  func.func @transform_1(%arg0: i32) -> (i32, i32) {
    %c0_i32 = arith.constant 0 : i32
    %c0_i32_0 = arith.constant 0 : i32
    return %arg0, %c0_i32 : i32, i32
  }
  func.func @transform_2(%arg0: i32) -> (i32, i32) {
    %c0_i32 = arith.constant 0 : i32
    %c0_i32_0 = arith.constant 0 : i32
    %c0_i32_1 = arith.constant 0 : i32
    return %c0_i32, %c0_i32_0 : i32, i32
  }
  func.func @transform_3(%arg0: i32) -> (i32, i32) {
    %c0_i32 = arith.constant 0 : i32
    %c0_i32_0 = arith.constant 0 : i32
    %c0_i32_1 = arith.constant 0 : i32
    return %c0_i32, %c0_i32_0 : i32, i32
  }
  func.func @transform_4(%arg0: i32) -> (i32, i32) {
    %c0_i32 = arith.constant 0 : i32
    %c0_i32_0 = arith.constant 0 : i32
    %c0_i32_1 = arith.constant 0 : i32
    return %c0_i32, %c0_i32_0 : i32, i32
  }
  func.func @transform_5(%arg0: i32) -> (i32, i32) {
    %c0_i32 = arith.constant 0 : i32
    %c0_i32_0 = arith.constant 0 : i32
    return %arg0, %c0_i32 : i32, i32
  }
}

module attributes {stable_mosaic.version = 14 : i64} {
  func.func @_tc_loss_body(%arg0: i32, %arg1: i32, %arg2: memref<1x1000x128xf32, #tpu.memory_space<vmem>>, %arg3: memref<1000x1xf32, #tpu.memory_space<vmem>>, %arg4: memref<1000x8xf32, #tpu.memory_space<vmem>>, %arg5: memref<1000x128xf32, #tpu.memory_space<vmem>>, %arg6: memref<1x64xf32, #tpu.memory_space<vmem>>, %arg7: memref<8x64xf32, #tpu.memory_space<vmem>>, %arg8: memref<256x128xf32, #tpu.memory_space<vmem>>, %arg9: memref<1x128xf32, #tpu.memory_space<vmem>>, %arg10: memref<1x1xf32, #tpu.memory_space<vmem>>, %arg11: memref<1xf32, #tpu.memory_space<smem>>, %arg12: memref<1xf32, #tpu.memory_space<smem>>) attributes {dimension_semantics = [#tpu.dimension_semantics<arbitrary>, #tpu.dimension_semantics<arbitrary>], iteration_bounds = array<i64: 2, 5>, scalar_prefetch = 0 : i64, scratch_operands = 2 : i64, tpu.core_type = #tpu.core_type<tc>, window_params = [{transform_indices = @transform_0, window_bounds = array<i64: 1, 1000, 128>}, {transform_indices = @transform_1, window_bounds = array<i64: 1000, 1>}, {transform_indices = @transform_2, window_bounds = array<i64: 1000, 8>}, {transform_indices = @transform_3, window_bounds = array<i64: 1000, 128>}, {pipeline_mode = #tpu.pipeline_mode<synchronous>, transform_indices = @transform_4, window_bounds = array<i64: 1, 64>}, {pipeline_mode = #tpu.pipeline_mode<synchronous>, transform_indices = @transform_5, window_bounds = array<i64: 8, 64>}, {pipeline_mode = #tpu.pipeline_mode<synchronous>, transform_indices = @transform_6, window_bounds = array<i64: 256, 128>}, {pipeline_mode = #tpu.pipeline_mode<synchronous>, transform_indices = @transform_7, window_bounds = array<i64: 1, 128>}, {pipeline_mode = #tpu.pipeline_mode<synchronous>, transform_indices = @transform_8, window_bounds = array<i64: 1, 1>}]} {
    %eq3A = arith.constant 0 : i32
    %eq3A_0 = arith.cmpi eq, %arg0, %eq3A : i32
    %eq3A_1 = arith.constant 0 : i32
    %eq3A_2 = arith.cmpi eq, %arg1, %eq3A_1 : i32
    %and3A = arith.andi %eq3A_0, %eq3A_2 : i1
    %convert_element_type3A = arith.extui %and3A : i1 to i32
    %cond3A = arith.constant 0 : i32
    %cond3A_3 = arith.cmpi ne, %convert_element_type3A, %cond3A : i32
    scf.if %cond3A_3 {
      %swap3A_71 = arith.constant 0.000000e+00 : f32
      %swap3A_72 = arith.constant 0 : index
      %swap3A_73 = memref.load %arg11[%swap3A_72] : memref<1xf32, #tpu.memory_space<smem>>
      memref.store %swap3A_71, %arg11[%swap3A_72] : memref<1xf32, #tpu.memory_space<smem>>
      %swap3A_74 = arith.constant 0.000000e+00 : f32
      %swap3A_75 = arith.constant 0 : index
      %swap3A_76 = memref.load %arg12[%swap3A_75] : memref<1xf32, #tpu.memory_space<smem>>
      memref.store %swap3A_74, %arg12[%swap3A_75] : memref<1xf32, #tpu.memory_space<smem>>
    } else {
    }
    %get3A = arith.constant 0 : index
    %get3A_4 = arith.constant 0 : index
    %get3A_5 = arith.constant 0 : index
    %get3A_6 = vector.load %arg2[%get3A, %get3A_4, %get3A_5] : memref<1x1000x128xf32, #tpu.memory_space<vmem>>, vector<1x1000x128xf32>
    %get3A_7 = vector.shape_cast %get3A_6 : vector<1x1000x128xf32> to vector<1000x128xf32>
    %get3A_8 = arith.constant 0 : index
    %get3A_9 = arith.constant 0 : index
    %get3A_10 = vector.load %arg3[%get3A_8, %get3A_9] : memref<1000x1xf32, #tpu.memory_space<vmem>>, vector<1000x1xf32>
    %gt3A = arith.constant 0.000000e+00 : f32
    %gt3A_11 = vector.broadcast %gt3A : f32 to vector<1000x1xf32>
    %gt3A_12 = arith.cmpf ogt, %get3A_10, %gt3A_11 : vector<1000x1xf32>
    %convert_element_type3A_13 = arith.extui %gt3A_12 : vector<1000x1xi1> to vector<1000x1xi32>
    %convert_element_type3A_14 = arith.sitofp %convert_element_type3A_13 : vector<1000x1xi32> to vector<1000x1xf32>
    %max3A = arith.constant 1.000000e+00 : f32
    %max3A_15 = vector.broadcast %max3A : f32 to vector<1000x1xf32>
    %max3A_16 = arith.maximumf %get3A_10, %max3A_15 : vector<1000x1xf32>
    %get3A_17 = arith.constant 192 : index
    %get3A_18 = arith.constant 0 : index
    %get3A_19 = vector.load %arg8[%get3A_17, %get3A_18] : memref<256x128xf32, #tpu.memory_space<vmem>>, vector<64x128xf32>
    %get3A_20 = arith.constant 0 : index
    %get3A_21 = arith.constant 0 : index
    %get3A_22 = vector.load %arg4[%get3A_20, %get3A_21] : memref<1000x8xf32, #tpu.memory_space<vmem>>, vector<1000x8xf32>
    %get3A_23 = arith.constant 0 : index
    %get3A_24 = arith.constant 0 : index
    %get3A_25 = vector.load %arg7[%get3A_23, %get3A_24] : memref<8x64xf32, #tpu.memory_space<vmem>>, vector<8x64xf32>
    %dot_general3A = arith.constant dense<0.000000e+00> : vector<1000x64xf32>
    %dot_general3A_26 = tpu.matmul %get3A_22, %get3A_25, %dot_general3A {dimension_numbers = #tpu.dot_dimension_numbers<[1], [0], [0], [1], [0, 0, 1, 1], [], []>, transpose_lhs_hint = false} : vector<1000x8xf32>, vector<8x64xf32>, vector<1000x64xf32> -> vector<1000x64xf32>
    %div3A = vector.broadcast %max3A_16 : vector<1000x1xf32> to vector<1000x128xf32>
    %div3A_27 = arith.divf %get3A_7, %div3A : vector<1000x128xf32>
    %get3A_28 = arith.constant 0 : index
    %get3A_29 = arith.constant 0 : index
    %get3A_30 = vector.load %arg6[%get3A_28, %get3A_29] : memref<1x64xf32, #tpu.memory_space<vmem>>, vector<1x64xf32>
    %add3A = vector.broadcast %get3A_30 : vector<1x64xf32> to vector<1000x64xf32>
    %add3A_31 = arith.addf %add3A, %dot_general3A_26 : vector<1000x64xf32>
    %dot_general3A_32 = arith.constant dense<0.000000e+00> : vector<1000x128xf32>
    %dot_general3A_33 = tpu.matmul %add3A_31, %get3A_19, %dot_general3A_32 {dimension_numbers = #tpu.dot_dimension_numbers<[1], [0], [0], [1], [0, 0, 1, 1], [], []>, transpose_lhs_hint = false} : vector<1000x64xf32>, vector<64x128xf32>, vector<1000x128xf32> -> vector<1000x128xf32>
    %add3A_34 = arith.addf %div3A_27, %dot_general3A_33 : vector<1000x128xf32>
    %get3A_35 = arith.constant 0 : index
    %get3A_36 = arith.constant 0 : index
    %get3A_37 = vector.load %arg9[%get3A_35, %get3A_36] : memref<1x128xf32, #tpu.memory_space<vmem>>, vector<1x128xf32>
    %add3A_38 = vector.broadcast %get3A_37 : vector<1x128xf32> to vector<1000x128xf32>
    %add3A_39 = arith.addf %add3A_34, %add3A_38 : vector<1000x128xf32>
    %get3A_40 = arith.constant 0 : index
    %get3A_41 = arith.constant 0 : index
    %get3A_42 = vector.load %arg5[%get3A_40, %get3A_41] : memref<1000x128xf32, #tpu.memory_space<vmem>>, vector<1000x128xf32>
    %sub3A = arith.subf %add3A_39, %get3A_42 : vector<1000x128xf32>
    %mul3A = vector.broadcast %convert_element_type3A_14 : vector<1000x1xf32> to vector<1000x128xf32>
    %mul3A_43 = arith.mulf %sub3A, %mul3A : vector<1000x128xf32>
    %get3A_44 = arith.constant 0 : index
    %get3A_45 = memref.load %arg11[%get3A_44] : memref<1xf32, #tpu.memory_space<smem>>
    %mul3A_46 = arith.mulf %mul3A_43, %mul3A_43 : vector<1000x128xf32>
    %reduce_sum3A = vector.shape_cast %mul3A_46 : vector<1000x128xf32> to vector<1x1000x128xf32>
    %reduce_sum3A_47 = arith.constant dense<0.000000e+00> : vector<1xf32>
    %reduce_sum3A_48 = vector.multi_reduction <add>, %reduce_sum3A, %reduce_sum3A_47 [1, 2] : vector<1x1000x128xf32> to vector<1xf32>
    %reduce_sum3A_49 = vector.shape_cast %reduce_sum3A_48 : vector<1xf32> to vector<1x1x1xf32>
    %reduce_sum3A_50 = vector.extract %reduce_sum3A_49[0, 0, 0] : f32 from vector<1x1x1xf32>
    %add3A_51 = arith.addf %get3A_45, %reduce_sum3A_50 : f32
    %swap3A = arith.constant 0 : index
    %swap3A_52 = memref.load %arg11[%swap3A] : memref<1xf32, #tpu.memory_space<smem>>
    memref.store %add3A_51, %arg11[%swap3A] : memref<1xf32, #tpu.memory_space<smem>>
    %get3A_53 = arith.constant 0 : index
    %get3A_54 = memref.load %arg12[%get3A_53] : memref<1xf32, #tpu.memory_space<smem>>
    %reduce_sum3A_55 = vector.shape_cast %convert_element_type3A_14 : vector<1000x1xf32> to vector<1x1000x1xf32>
    %reduce_sum3A_56 = arith.constant dense<0.000000e+00> : vector<1xf32>
    %reduce_sum3A_57 = vector.multi_reduction <add>, %reduce_sum3A_55, %reduce_sum3A_56 [1, 2] : vector<1x1000x1xf32> to vector<1xf32>
    %reduce_sum3A_58 = vector.shape_cast %reduce_sum3A_57 : vector<1xf32> to vector<1x1x1xf32>
    %reduce_sum3A_59 = vector.extract %reduce_sum3A_58[0, 0, 0] : f32 from vector<1x1x1xf32>
    %add3A_60 = arith.addf %get3A_54, %reduce_sum3A_59 : f32
    %swap3A_61 = arith.constant 0 : index
    %swap3A_62 = memref.load %arg12[%swap3A_61] : memref<1xf32, #tpu.memory_space<smem>>
    memref.store %add3A_60, %arg12[%swap3A_61] : memref<1xf32, #tpu.memory_space<smem>>
    %eq3A_63 = arith.constant 1 : i32
    %eq3A_64 = arith.cmpi eq, %arg0, %eq3A_63 : i32
    %eq3A_65 = arith.constant 4 : i32
    %eq3A_66 = arith.cmpi eq, %arg1, %eq3A_65 : i32
    %and3A_67 = arith.andi %eq3A_64, %eq3A_66 : i1
    %convert_element_type3A_68 = arith.extui %and3A_67 : i1 to i32
    %cond3A_69 = arith.constant 0 : i32
    %cond3A_70 = arith.cmpi ne, %convert_element_type3A_68, %cond3A_69 : i32
    scf.if %cond3A_70 {
      %get3A_71 = arith.constant 0 : index
      %get3A_72 = memref.load %arg11[%get3A_71] : memref<1xf32, #tpu.memory_space<smem>>
      %get3A_73 = arith.constant 0 : index
      %get3A_74 = memref.load %arg12[%get3A_73] : memref<1xf32, #tpu.memory_space<smem>>
      %mul3A_75 = arith.constant 1.280000e+02 : f32
      %mul3A_76 = arith.mulf %get3A_74, %mul3A_75 : f32
      %div3A_77 = arith.divf %get3A_72, %mul3A_76 : f32
      %broadcast_in_dim3A = vector.broadcast %div3A_77 : f32 to vector<1x1xf32>
      %swap3A_78 = arith.constant 0 : index
      %swap3A_79 = arith.constant 0 : index
      %swap3A_80 = vector.load %arg10[%swap3A_78, %swap3A_79] : memref<1x1xf32, #tpu.memory_space<vmem>>, vector<1x1xf32>
      tpu.vector_store %arg10[%swap3A_78, %swap3A_79], %broadcast_in_dim3A {strides = array<i32>} : memref<1x1xf32, #tpu.memory_space<vmem>>, vector<1x1xf32>,
    } else {
    }
    return
  }
  func.func @transform_0(%arg0: i32, %arg1: i32) -> (i32, i32, i32) {
    %c0_i32 = arith.constant 0 : i32
    %c0_i32_0 = arith.constant 0 : i32
    return %arg0, %arg1, %c0_i32 : i32, i32, i32
  }
  func.func @transform_1(%arg0: i32, %arg1: i32) -> (i32, i32) {
    %mul3A = arith.constant 5 : i32
    %mul3A_0 = arith.muli %arg0, %mul3A : i32
    %add3A = arith.addi %mul3A_0, %arg1 : i32
    %c0_i32 = arith.constant 0 : i32
    %c0_i32_1 = arith.constant 0 : i32
    return %add3A, %c0_i32 : i32, i32
  }
  func.func @transform_2(%arg0: i32, %arg1: i32) -> (i32, i32) {
    %mul3A = arith.constant 5 : i32
    %mul3A_0 = arith.muli %arg0, %mul3A : i32
    %add3A = arith.addi %mul3A_0, %arg1 : i32
    %c0_i32 = arith.constant 0 : i32
    %c0_i32_1 = arith.constant 0 : i32
    return %add3A, %c0_i32 : i32, i32
  }
  func.func @transform_3(%arg0: i32, %arg1: i32) -> (i32, i32) {
    %mul3A = arith.constant 5 : i32
    %mul3A_0 = arith.muli %arg0, %mul3A : i32
    %add3A = arith.addi %mul3A_0, %arg1 : i32
    %c0_i32 = arith.constant 0 : i32
    %c0_i32_1 = arith.constant 0 : i32
    return %add3A, %c0_i32 : i32, i32
  }
  func.func @transform_4(%arg0: i32, %arg1: i32) -> (i32, i32) {
    %c0_i32 = arith.constant 0 : i32
    %c0_i32_0 = arith.constant 0 : i32
    %c0_i32_1 = arith.constant 0 : i32
    return %c0_i32, %c0_i32_0 : i32, i32
  }
  func.func @transform_5(%arg0: i32, %arg1: i32) -> (i32, i32) {
    %c0_i32 = arith.constant 0 : i32
    %c0_i32_0 = arith.constant 0 : i32
    %c0_i32_1 = arith.constant 0 : i32
    return %c0_i32, %c0_i32_0 : i32, i32
  }
  func.func @transform_6(%arg0: i32, %arg1: i32) -> (i32, i32) {
    %c0_i32 = arith.constant 0 : i32
    %c0_i32_0 = arith.constant 0 : i32
    %c0_i32_1 = arith.constant 0 : i32
    return %c0_i32, %c0_i32_0 : i32, i32
  }
  func.func @transform_7(%arg0: i32, %arg1: i32) -> (i32, i32) {
    %c0_i32 = arith.constant 0 : i32
    %c0_i32_0 = arith.constant 0 : i32
    %c0_i32_1 = arith.constant 0 : i32
    return %c0_i32, %c0_i32_0 : i32, i32
  }
  func.func @transform_8(%arg0: i32, %arg1: i32) -> (i32, i32) {
    %c0_i32 = arith.constant 0 : i32
    %c0_i32_0 = arith.constant 0 : i32
    %c0_i32_1 = arith.constant 0 : i32
    return %c0_i32, %c0_i32_0 : i32, i32
  }
}

</mosaic_0001>

<sc_bundles>
// kernel: kernel.5.cloned.1.call-start
scs
__scs_entry_jumppad:
0x0: {  	(pc) =	sbr.rel $0x88, $3  }
0x1: {  	(tag) =	ssettag $0x0;
	lr =	simm.s32 $0x1  }
0x2: {  	[smem:$0x3F98] =	sst lr;
	_ =	strace $0xD0000000  }
0x3: {  	_ = 	snop  }
0x4: {  	_ = 	snop  }
0x5: {  	_ = 	snop  }
0x6: {  	_ = 	snop  }
0x7: {  	_ = 	snop  }
__scs_overlays_trampoline_lowered:
0x8: {  	[smem:$0x3FA7] =	sst s0  }
0x9: {  	[smem:$0x3FA8] =	sst s1  }
0xa: {  	[smem:$0x3FA9] =	sst s2  }
0xb: {  	[smem:$0x3FAA] =	sst s3  }
0xc: {  	[smem:$0x3FAB] =	sst s4  }
0xd: {  	[smem:$0x3FAC] =	sst s5  }
0xe: {  	[smem:$0x3FAD] =	sst s6  }
0xf: {  	[smem:$0x3FAE] =	sst s7  }
0x10: {  	[smem:$0x3FAF] =	sst s8  }
0x11: {  	[smem:$0x3FB0] =	sst s9;
	s0 =	simm.s32 @!p0 $0x0  }
0x12: {  	s1 =	sld [smem:$0x3F96];
	s0 =	simm.s32 @p0 $0x1  }
0x13: {  	[smem:$0x3FB1] =	sst s0;
	s0 =	simm.s32 @!p1 $0x0  }
0x14: {  	s2 =	sld [smem:$0x3F95];
	s0 =	simm.s32 @p1 $0x1  }
0x15: {  	[smem:$0x3FB2] =	sst s0;
	s0 =	simm.s32 @!p2 $0x0  }
0x16: {  	s3 =	sld [smem:$0x3FDB];
	s0 =	simm.s32 @p2 $0x1  }
0x17: {  	s4 =	simm.s32 $0x1BF5;
	[smem:$0x3FB4] =	sst s0  }
0x18: {  	s0 =	sld [smem:$0x3F97];
	_ =	swait.ge [sflag:s4], $0x0  }
0x19: {  	s7 =	sld [smem:$0x3F98]  }
0x1a: {  	s8 =	sadd.s32 $0xFFFFE003, lr  }
0x1b: {  	s9 =	sadd.s32 $0xFFFFFEF7, lr;
	s5 =	simm.s32 $0xFFFFFFFF;
	p2 =	slt.u32 s8, $0xFFFFF086  }
0x1c: {  	p1 =	slt.u32 s9, $0xF7A;
	s5 =	simm.s32 @!p2 $0x0  }
0x1d: {  	s5 =	simm.s32 @p1 $0x1;
	p0 =	seq.s32 s7, s2  }
0x1e: {  	s7 =	smul.u32 @!p0 $0xF7A, s2;
	p2 =	seq.s32 @!p0 s5, $0x0  }
0x1f: {  	s9 =	smul.u32 $0xF7A, s1;
	s8 =	simm.s32 @!p0 $0x1BF5;
	p2 =	por !p2, p0  }
0x20: {  	[sflag:s8] =	ssyncset.s32 @!p0 $0xFFFFF086;
	s6 =	sadd.s32 @!p0 s3, s7;
	s7 =	simm.s32 @!p0 $0x108  }
0x21: {  	s3 =	sadd.s32 s3, s9;
	s6 =	sadd.s32 @!p0 $0x88, s6;
	s7 =	simm.s32 @p2 $0x1082  }
0x22: {  	[simem:s7], [sflag:s8] =	dma.local @!p0 [hbm:s6], $0xF7A  }
0x23: {  	s9 =	sor.u32 $0xD0000000, s2;
	s6 =	simm.s32 $0x108;
	_ =	swait.ge @!p0 [sflag:s8], $0x0  }
0x24: {  	s3 =	sadd.s32 $0x88, s3;
	s6 =	simm.s32 @!p1 $0x1082;
	[sflag:s4] =	ssyncset.s32 $0xFFFFF086  }
0x25: {  	[simem:s6], [sflag:s4] =	dma.local [hbm:s3], $0xF7A  }
0x26: {  	[smem:$0x3F98] =	sst s1;
	(tag) =	ssettag s2;
	_ =	strace s9  }
0x27: {  	s1 =	sld [smem:$0x3FA8]  }
0x28: {  	s2 =	sld [smem:$0x3FA9]  }
0x29: {  	s4 =	sld [smem:$0x3FAB]  }
0x2a: {  	p0 =	seq.s32 s5, $0x0;
	s5 =	sld [smem:$0x3FAC]  }
0x2b: {  	s6 =	sld [smem:$0x3FAD]  }
0x2c: {  	s7 =	sld [smem:$0x3FAE]  }
0x2d: {  	s3 =	simm.s32 $0x108;
	s8 =	sld [smem:$0x3FAF]  }
0x2e: {  	s3 =	simm.s32 @!p0 $0x1082;
	s9 =	sld [smem:$0x3FB0]  }
0x2f: {  	lr =	sadd.s32 s0, s3;
	s0 =	sld [smem:$0x3FA7]  }
0x30: {  	s3 =	sld [smem:$0x3FAA]  }
0x31: {  	[smem:$0x3FB3] =	sst s10  }
0x32: {  	s10 =	sld [smem:$0x3FB1];
	_ =	sdelay $0x3  }
0x33: {  	p0 =	seq.s32 s10, $0x1;
	s10 =	sld [smem:$0x3FB3];
	_ =	sdelay $0x3  }
0x34: {  	[smem:$0x3FB3] =	sst s10  }
0x35: {  	s10 =	sld [smem:$0x3FB2];
	_ =	sdelay $0x3  }
0x36: {  	p1 =	seq.s32 s10, $0x1;
	s10 =	sld [smem:$0x3FB3];
	_ =	sdelay $0x3  }
0x37: {  	[smem:$0x3FB3] =	sst s10  }
0x38: {  	s10 =	sld [smem:$0x3FB4]  }
0x39: {  	_ = 	snop;
	(pc) =	sbr.ind lr, $3  }
0x3a: {  	_ = 	snop  }
0x3b: {  	_ = 	snop  }
0x3c: {  	p2 =	seq.s32 s10, $0x1;
	s10 =	sld [smem:$0x3FB3]  }
0x3d: {  	_ =	shalt  }
0x3e: {  	_ =	shalt  }
0x3f: {  	_ =	shalt  }
0x40: {  	_ =	shalt  }
0x41: {  	_ =	shalt  }
0x42: {  	_ =	shalt  }
0x43: {  	_ =	shalt  }
0x44: {  	_ =	shalt  }
0x45: {  	_ =	shalt  }
0x46: {  	_ =	shalt  }
0x47: {  	_ =	shalt  }
0x48: {  	_ =	shalt  }
0x49: {  	_ =	shalt  }
0x4a: {  	_ =	shalt  }
0x4b: {  	_ =	shalt  }
0x4c: {  	_ =	shalt  }
0x4d: {  	_ =	shalt  }
0x4e: {  	_ =	shalt  }
0x4f: {  	_ =	shalt  }
0x50: {  	_ =	shalt  }
0x51: {  	_ =	shalt  }
0x52: {  	_ =	shalt  }
0x53: {  	_ =	shalt  }
0x54: {  	_ =	shalt  }
0x55: {  	_ =	shalt  }
0x56: {  	_ =	shalt  }
0x57: {  	_ =	shalt  }
0x58: {  	_ =	shalt  }
0x59: {  	_ =	shalt  }
0x5a: {  	_ =	shalt  }
0x5b: {  	_ =	shalt  }
0x5c: {  	_ =	shalt  }
0x5d: {  	_ =	shalt  }
0x5e: {  	_ =	shalt  }
0x5f: {  	_ =	shalt  }
0x60: {  	_ =	shalt  }
0x61: {  	_ =	shalt  }
0x62: {  	_ =	shalt  }
0x63: {  	_ =	shalt  }
0x64: {  	_ =	shalt  }
0x65: {  	_ =	shalt  }
0x66: {  	_ =	shalt  }
0x67: {  	_ =	shalt  }
0x68: {  	_ =	shalt  }
0x69: {  	_ =	shalt  }
0x6a: {  	_ =	shalt  }
0x6b: {  	_ =	shalt  }
0x6c: {  	_ =	shalt  }
0x6d: {  	_ =	shalt  }
0x6e: {  	_ =	shalt  }
0x6f: {  	_ =	shalt  }
0x70: {  	_ =	shalt  }
0x71: {  	_ =	shalt  }
0x72: {  	_ =	shalt  }
0x73: {  	_ =	shalt  }
0x74: {  	_ =	shalt  }
0x75: {  	_ =	shalt  }
0x76: {  	_ =	shalt  }
0x77: {  	_ =	shalt  }
0x78: {  	_ =	shalt  }
0x79: {  	_ =	shalt  }
0x7a: {  	_ =	shalt  }
0x7b: {  	_ =	shalt  }
0x7c: {  	_ =	shalt  }
0x7d: {  	_ =	shalt  }
0x7e: {  	_ =	shalt  }
0x7f: {  	_ =	shalt  }
0x80: {  	_ =	shalt  }
0x81: {  	_ =	shalt  }
0x82: {  	_ =	shalt  }
0x83: {  	_ =	shalt  }
0x84: {  	_ =	shalt  }
0x85: {  	_ =	shalt  }
0x86: {  	_ =	shalt  }
0x87: {  	_ =	shalt  }
.Lfunc_end0:
.L_simem_size_0:
called_computation_lowered:
.L_overlay_start_0:
0x88: {  	s2 =	sld [smem:$0x3FD9]  }
0x89: {  	s3 =	sld [smem:$0x3FFE];
	_ =	sdelay $0x1  }
0x8a: {  	s1 =	srdreg.scid  }
0x8b: {  	s0 =	sand.u32 $0x1, s1  }
0x8c: {  	s17 =	sshll.u32 s0, $0xA;
	s2 =	sadd.s32 s3, s2  }
0x8d: {  	s2 =	sadd.s32 s2, s17  }
0x8e: {  	[smem:$0x3FBF] =	sst s2  }
0x8f: {  	_ = 	snop  }
0x90: {  	s2 =	sld [smem:$0x3FC5];
	(tm) =	ssettm $0x1  }
0x91: {  	s18 =	sld [smem:$0x3FFB];
	_ =	sdelay $0x3  }
0x92: {  	_ =	strace s18  }
0x93: {  	s3 =	sld [smem:$0x3FFC];
	_ =	sdelay $0x3  }
0x94: {  	_ =	strace s3  }
0x95: {  	s3 =	sld [smem:$0x3FFD];
	_ =	sdelay $0x3  }
0x96: {  	_ =	strace s3  }
0x97: {  	_ =	strace $0x8FFFFFFF  }
0x98: {  	s19 =	sld [smem:$0x3FDB];
	_ =	sdelay $0x1  }
0x99: {  	s4 =	simm.s32 $_scs_section_size  }
0x9a: {  	s5 =	simm.s32 $_size__tile_overlayer_lowered;
	s6 =	simm.s32 $_tile_overlayer_lowered  }
0x9b: {  	s22 =	simm.s32 $0x1BFF;
	s21 =	sshll.u32 s6, $0x1;
	s3 =	sadd.s32 s4, s19  }
0x9c: {  	s7 =	simm.s32 $0x0;
	s20 =	sshll.u32 s5, $0x1;
	s5 =	sadd.s32 s21, s3  }
0x9d: {  	[timem:s7], [sflag:s22] =	dma.local [hbm:s5], s20  }
0x9e: {  	_ =	swait.ge [sflag:s22], s20  }
0x9f: {  	s4 =	ssub.s32 $0x0, s20;
	[sflag:s22] =	ssyncset.done $0x0  }
0xa0: {  	[sflag:s22] =	ssyncadd.s32 s4;
	_ =	sdelay $0x1  }
0xa1: {  	s23 =	simm.s32 $0x1B8B  }
0xa2: {  	_ =	swait.ge [sflag:s23], $0x1  }
0xa3: {  	[sflag:s23] =	ssyncset.done $0x0  }
0xa4: {  	s25 =	simm.s32 $0x1B8E;
	s24 =	sld [smem:$0x3FFE];
	[sflag:s23] =	ssyncadd.s32 $0xFFFFFFFF  }
0xa5: {  	s26 =	simm.s32 $execute0_lowered;
	[smem:$0x3FD2] =	sst s25  }
0xa6: {  	s5 =	sshll.u32 s26, $0x1;
	_ =	strace $0x80000046;
	[dreg:$0x1] =	wrdreg $0xFFFFFFFF  }
0xa7: {  	s28 =	simm.s32 $_size_execute0_lowered;
	s3 =	sadd.s32 s3, s5;
	[dreg:$0x0] =	wrdreg $0x0  }
0xa8: {  	s5 =	sshll.u32 s28, $0x1;
	[dreg:$0x2] =	wrdreg s3  }
0xa9: {  	[dreg:$0x3] =	wrdreg s5  }
0xaa: {  	[dreg:$0x4] =	wrdreg $0xC0  }
0xab: {  	_ =	task [dreg:s7], $0x5FFFF  }
0xac: {  	[dreg:$0x1] =	wrdreg $0xFFFFFFFF  }
0xad: {  	[dreg:$0x0] =	wrdreg $0x60  }
0xae: {  	[dreg:$0x2] =	wrdreg s24  }
0xaf: {  	[dreg:$0x3] =	wrdreg s2  }
0xb0: {  	[dreg:$0x4] =	wrdreg $0x15E000  }
0xb1: {  	[dreg:$0x5] =	wrdreg $0x1FE000  }
0xb2: {  	[dreg:$0x6] =	wrdreg $0x9  }
0xb3: {  	_ =	task.clear_ibuf [dreg:s7], $0x7FFFF;
	_ =	strace $0x90000046  }
0xb4: {  	s29 =	simm.s32 $0x9;
	_ =	strace $0x80000048  }
0xb5: {  	_ =	swait.ge [sflag:s29], $0x1  }
0xb6: {  	[sflag:s29] =	ssyncadd.s32 $0xFFFFFFFF  }
0xb7: {  	_ =	strace $0x90000048  }
0xb8: {  	_ =	sfence  }
0xb9: {  	s30 =	sld [smem:$0x0];
	_ =	sdelay $0x2  }
0xba: {  	s31 =	sshll.u32 s1, $0xD;
	s1 =	sshrl.u32 s1, $0x2  }
0xbb: {  	s3 =	sand.u32 $0x4000, s31;
	s1 =	sadd.s32 s1, s30  }
0xbc: {  	s0 =	sor.u32 s3, s0;
	s1 =	sshll.u32 s1, $0x11  }
0xbd: {  	s0 =	sor.u32 s1, s0  }
0xbe: {  	s0 =	sadd.s32 $0x8F2B, s0  }
0xbf: {  	[sflag:s0] =	ssyncadd.remote.s32 $0x1  }
0xc0: {  	_ =	sfence.sel $0xFFFF  }
0xc1: {  	[dreg:$0x0] =	wrdreg $0xFFFFFFFF;
	(pc) =	sbr.abs _section_cstart, $3  }
0xc2: {  	[dreg:$0x1] =	wrdreg $0xFFFFFFFF  }
0xc3: {  	_ =	task.clear_ibuf [dreg:s7], $0x2FFFF;
	_ =	strace $0x9FFFFFFF  }
0xc4: {  	(tm) =	ssettm $0x7FFFFFFF  }
0xc5: {  	_ =	shalt  }
tec
execute0_lowered:
.L_overlay_start_1:
0x0: {  	(tag) =	ssettag $0x1  }
0x1: {  	s0 =	rddreg [dreg:$0x0]  }
0x2: {  	s24 =	rddreg [dreg:$0x1]  }
0x3: {  	s2 =	rddreg [dreg:$0x2]  }
0x4: {  	s23 =	rddreg [dreg:$0x3];
	s1 =	srdreg.scid;
	s4 =	simm.s32 $0x0  }
0x5: {  	s3 =	stileid.u32;
	s16 =	simm.s32 $0xA100;
	s17 =	simm.s32 $0x5  }
0x6: {  	s29 =	simm.s32 $0x5080;
	s30 =	simm.s32 $0xC880;
	s31 =	simm.s32 $0x15D00  }
0x7: {  	s1 =	sand.u32 $0x1, s1;
	[smem:$0x7FF] =	sst s4;
	s8 =	smul.u32 $0xA000, s3  }
0x8: {  	s10 =	sadd.s32 $0x2600, s0;
	s5 =	sadd.s32 $0x16600, s0;
	s6 =	sadd.s32 $0x3DE00, s0  }
0x9: {  	s25 =	sadd.s32 $0x3D800, s0;
	s9 =	smul.u32 $0x28000, s3;
	s11 =	sshrl.u32 s3, $0x3  }
0xa: {  	s13 =	sshll.u32 s3, $0x7;
	s26 =	sshll.u32 s3, $0x6;
	s7 =	smul.u32 $0xA0000, s1  }
0xb: {  	p0 =	sne.s32 s3, $0x0;
	_ =	strace $0x80000047;
	s18 =	smul.u32 $0x280, s1  }
0xc: {  	s12 =	ssub.s32 $0x2, s1;
	s11 =	smul.u32 $0x28000, s11;
	s13 =	sand.u32 $0x380, s13  }
0xd: {  	s1 =	smul.u32 $0x1388, s1;
	[dreg:$0x5] =	wrdreg s25;
	s19 =	sshrl.u32 s12, $0x1  }
0xe: {  	s20 =	sshrl.u32 s9, $0x2;
	s7 =	sadd.s32 s8, s7;
	s14 =	ssub.s32 s12, s19  }
0xf: {  	s21 =	sor.u32 s13, s11;
	s15 =	sadd.s32 s20, s2;
	s8 =	sor.u32 $0x1C05, s26  }
0x10: {  	s19 =	simm.s32 $0x80;
	s26 =	simm.s32 $0x0;
	s7 =	sshrl.u32 s7, $0x3  }
0x11: {  	s22 =	sadd.s32 $0x50000, s21;
	s9 =	sshrl.u32 s21, $0x3;
	s11 =	smax.u32 s14, $0x1  }
.Ltmp0:
0x12: {  	s14 =	sshrl.u32 s15, $0x3;
	s15 =	simm.s32 $0x14880;
	(pc) =	sbr.rel .LBB2_1-.Ltmp0, $4  }
0x13: {  	s21 =	simm.s32 $0x15C80;
	s7 =	sadd.s32 s7, s0;
	s0 =	sadd.s32 s18, s0  }
0x14: {  	v2 =	vlaneseq.u32;
	v5 =	vimm.s32 $0x1;
	v6 =	vimm.f32 $1.000000000e+00;
	s28 =	sshrl.u32 s22, $0x3;
	s9 =	sadd.s32 s10, s9;
	s18 =	sadd.s32 $0x1388, s1  }
0x15: {  	v7 =	vimm.s32 $0x0;
	v8 =	vimm.s32 $0xFFFFFFFF;
	v3 =	vor.u32 $0x10, v2;
	s12 =	sadd.s32 s10, s28;
	s13 =	sadd.s32 $0x3F800, s7;
	s20 =	sadd.s32 $0x3F200, s0  }
0x16: {  	v4 =	vadd.s32 $0x18, v2;
	v0 =	vmov s1;
	v1 =	vmov s18;
	s18 =	sshrl.u32 @!p0 s23, $0x3;
	s10 =	simm.s32 $0x400;
	s7 =	simm.s32 $0x28  }
.LBB2_6:
0x17: {  	_ = 	snop  }
.LBB2_11:
0x18: {  	s0 =	sadd.s32 $0x3, s22;
	(ifvalue) =	ssetifvalue @p1 $0xFFFFFFFF  }
0x19: {  	[spmem:s2] =	stream.indirect.scatter.add.f32 @p1 [tilespmem:s25], [sflag:s21], $0x80, s7, s19, $0x40b8;
	[tilespmem:$0x1FF40] =	vst v63  }
0x1a: {  	p1 =	sge.s32 s23, s28;
	_ =	swait.ge [sflag:s0], $0x4000  }
0x1b: {  	s25 =	sadd.s32 $0x1, s3;
	s1 =	sshll.u32 @!p1 s22, $0xE;
	[sflag:s0] =	ssyncset.done $0x0  }
0x1c: {  	s7 =	simm.s32 @!p1 $0x80;
	[sflag:s0] =	ssyncadd.s32 $0xFFFFC000;
	(ifvalue) =	ssetifvalue @!p1 $0xFFFFFFFF  }
0x1d: {  	s21 =	sadd.s32 @!p1 $0x1, s22;
	s1 =	sadd.s32 @!p1 $0xC880, s1;
	(ifvalue) =	ssetifvalue @!p1 $0xFFFFFFFF  }
0x1e: {  	[tilespmem:s1], [sflag:s21] =	stream.indirect.gather @!p1 [hbm4b:s5+s7], $0x80, s31, s7, $0x40b8;
	[tilespmem:$0x1FF40] =	vst v63  }
0x1f: {  	_ =	swait.ge [sflag:s25], $0x4000  }
0x20: {  	[sflag:s25] =	ssyncset.done $0x0  }
0x21: {  	[sflag:s25] =	ssyncadd.s32 $0xFFFFC000  }
0x22: {  	v9 =	vld [tilespmem:s29+$0xFFFFFF90];
	_ =	sdelay $0x3  }
0x23: {  	s22 =	sshll.u32 s3, $0x7  }
0x24: {  	[tilespmem:s22+$0x15D00] =	vst v9  }
0x25: {  	v9 =	vld [tilespmem:s29+$0xFFFFFFA0];
	_ =	sdelay $0x4  }
0x26: {  	[tilespmem:s22+$0x15D10] =	vst v9  }
0x27: {  	v9 =	vld [tilespmem:s29+$0xFFFFFFB0];
	_ =	sdelay $0x4  }
0x28: {  	[tilespmem:s22+$0x15D20] =	vst v9  }
0x29: {  	v9 =	vld [tilespmem:s29+$0xFFFFFFC0];
	_ =	sdelay $0x4  }
0x2a: {  	[tilespmem:s22+$0x15D30] =	vst v9  }
0x2b: {  	v9 =	vld [tilespmem:s29+$0xFFFFFFD0];
	_ =	sdelay $0x4  }
0x2c: {  	[tilespmem:s22+$0x15D40] =	vst v9  }
0x2d: {  	v9 =	vld [tilespmem:s29+$0xFFFFFFE0];
	_ =	sdelay $0x4  }
0x2e: {  	[tilespmem:s22+$0x15D50] =	vst v9  }
0x2f: {  	v9 =	vld [tilespmem:s29+$0xFFFFFFF0];
	_ =	sdelay $0x4  }
0x30: {  	[tilespmem:s22+$0x15D60] =	vst v9  }
0x31: {  	v9 =	vld [tilespmem:s29+$0x0];
	_ =	sdelay $0x3  }
0x32: {  	s23 =	sadd.s32 $0xC880, s30  }
0x33: {  	s0 =	sor.u32 $0x15D00, s22;
	s25 =	sadd.s32 $0x3, s3;
	[tilespmem:s22+$0x15D70] =	vst v9;
	(ifvalue) =	ssetifvalue $0xFFFFFFFF  }
0x34: {  	[spmem:s2] =	stream.indirect.scatter.add.f32 [tilespmem:s23], [sflag:s25], $0x80, s0, s19, $0x40b8;
	[tilespmem:$0x1FF40] =	vst v63  }
0x35: {  	s30 =	simm.s32 $0xC880;
	s23 =	rddreg [dreg:$0x3]  }
0x36: {  	s31 =	simm.s32 $0x15D00;
	s29 =	simm.s32 $0x5080;
	s25 =	rddreg [dreg:$0x5]  }
.LBB2_12:
0x37: {  	s0 =	sadd.s32 $0xFFFFFFFF, s28  }
0x38: {  	s1 =	sshrl.u32 s0, $0x1F  }
0x39: {  	s1 =	sadd.s32 s1, s0  }
0x3a: {  	s1 =	sand.u32 $0xFFFFFFFE, s1  }
0x3b: {  	s0 =	ssub.s32 s0, s1  }
0x3c: {  	s0 =	sadd.s32 $0x3, s0  }
0x3d: {  	_ =	swait.ge [sflag:s0], $0x4000  }
0x3e: {  	[sflag:s0] =	ssyncset.done $0x0  }
0x3f: {  	s7 =	simm.s32 $0x28;
	s21 =	simm.s32 $0x15C80;
	[sflag:s0] =	ssyncadd.s32 $0xFFFFC000  }
.LBB2_13:
0x40: {  	[spmem:s23] =	stream.indirect.scatter.add.f32 [tilespmem:s15], [sflag:$0x5], $0x80, s21, s7, $0xb8;
	[tilespmem:$0x1FF40] =	vst v63  }
0x41: {  	_ =	swait.ge [sflag:s17], $0x1400  }
0x42: {  	[sflag:s17] =	ssyncset.done $0x0  }
0x43: {  	[sflag:s17] =	ssyncadd.s32 $0xFFFFEC00  }
0x44: {  	[bflag:$0x0] =	sbarrier.arrive $0xFFFF  }
0x45: {  	[hbm:s13], [sflag:s8] =	dma.local [spmem:s14], $0x1400  }
0x46: {  	s26 =	sadd.s32 $0x1, s26;
	_ =	swait.ge [sflag:s17], $0x1400  }
0x47: {  	p1 =	sne.s32 s26, s11;
	[sflag:s17] =	ssyncset.done $0x0  }
.Ltmp1:
0x48: {  	s0 =	simm.s32 @!p0 $0x5;
	[sflag:s17] =	ssyncadd.s32 $0xFFFFEC00;
	(pc) =	sbr.rel @!p1 .LBB2_14-.Ltmp1, $4  }
0x49: {  	[hbm:s20], [sflag:s8] =	dma.local @!p0 [spmem:s18], $0x280  }
0x4a: {  	_ =	swait.ge @!p0 [sflag:s0], $0x280  }
0x4b: {  	[sflag:s0] =	ssyncset.done @!p0 $0x0  }
0x4c: {  	[sflag:s0] =	ssyncadd.s32 @!p0 $0xFFFFFD80  }
.LBB2_1:
0x4d: {  	[tilespmem:$0x15C80] =	vst v2  }
0x4e: {  	[tilespmem:$0x15C90] =	vst v3  }
0x4f: {  	[tilespmem:$0x15C98] =	vst v4  }
0x50: {  	[spmem:s14], [sflag:s8] =	dma.local [hbm:s6], $0x1400  }
0x51: {  	[tilespmem:s15], [sflag:$0x5] =	stream.linear.gather [hbm4b:s6+s4], $0x1400, $0x38;
	[tilespmem:$0x1FF40] =	vst v63  }
0x52: {  	_ = 	snop  }
0x53: {  	[tilespmem:s16], [sflag:$0x5] =	stream.linear.gather [hbm4b:s25+s4], $0x2780, $0x38;
	[tilespmem:$0x1FF40] =	vst v63  }
0x54: {  	_ =	swait.ge [sflag:s17], $0x1400  }
0x55: {  	[sflag:s17] =	ssyncset.done $0x0  }
0x56: {  	[sflag:s17] =	ssyncadd.s32 $0xFFFFEC00  }
0x57: {  	_ =	swait.ge [sflag:s17], $0x1400  }
0x58: {  	[sflag:s17] =	ssyncset.done $0x0  }
0x59: {  	[sflag:s17] =	ssyncadd.s32 $0xFFFFEC00  }
0x5a: {  	_ =	swait.ge [sflag:s17], $0x2780  }
0x5b: {  	[sflag:s17] =	ssyncset.done $0x0  }
0x5c: {  	s0 =	simm.s32 @!p0 $0x5;
	[sflag:s17] =	ssyncadd.s32 $0xFFFFD880  }
0x5d: {  	[spmem:s18], [sflag:s8] =	dma.local @!p0 [hbm:s6], $0x280  }
0x5e: {  	_ =	swait.ge @!p0 [sflag:s0], $0x280  }
0x5f: {  	[sflag:s0] =	ssyncset.done @!p0 $0x0  }
0x60: {  	[sflag:s0] =	ssyncadd.s32 @!p0 $0xFFFFFD80  }
0x61: {  	[tilespmem:s4], [sflag:$0x5] =	stream.linear.gather [hbm4b:s24+s4], $0x400, $0x38;
	[tilespmem:$0x1FF40] =	vst v63  }
0x62: {  	_ =	swait.ge [sflag:s17], $0x400  }
0x63: {  	[sflag:s17] =	ssyncset.done $0x0  }
0x64: {  	[sflag:s17] =	ssyncadd.s32 $0xFFFFFC00  }
0x65: {  	v9 =	vld [tilespmem:$0x0];
	_ =	sdelay $0x7  }
0x66: {  	[tilespmem:v9+s16+$0x0] =	vst.idx.msk $0xffff, v5  }
0x67: {  	v9 =	vld [tilespmem:$0x10];
	_ =	sdelay $0x7  }
0x68: {  	[tilespmem:v9+s16+$0x0] =	vst.idx.msk $0xffff, v5  }
0x69: {  	v9 =	vld [tilespmem:$0x20];
	_ =	sdelay $0x7  }
0x6a: {  	[tilespmem:v9+s16+$0x0] =	vst.idx.msk $0xffff, v5  }
0x6b: {  	v9 =	vld [tilespmem:$0x30];
	_ =	sdelay $0x7  }
0x6c: {  	[tilespmem:v9+s16+$0x0] =	vst.idx.msk $0xffff, v5  }
0x6d: {  	v9 =	vld [tilespmem:$0x40];
	_ =	sdelay $0x7  }
0x6e: {  	[tilespmem:v9+s16+$0x0] =	vst.idx.msk $0xffff, v5  }
0x6f: {  	v9 =	vld [tilespmem:$0x50];
	_ =	sdelay $0x7  }
0x70: {  	[tilespmem:v9+s16+$0x0] =	vst.idx.msk $0xffff, v5  }
0x71: {  	v9 =	vld [tilespmem:$0x60];
	_ =	sdelay $0x7  }
0x72: {  	[tilespmem:v9+s16+$0x0] =	vst.idx.msk $0xffff, v5  }
0x73: {  	v9 =	vld [tilespmem:$0x70];
	_ =	sdelay $0x7  }
0x74: {  	[tilespmem:v9+s16+$0x0] =	vst.idx.msk $0xffff, v5  }
0x75: {  	v9 =	vld [tilespmem:$0x80];
	_ =	sdelay $0x7  }
0x76: {  	[tilespmem:v9+s16+$0x0] =	vst.idx.msk $0xffff, v5  }
0x77: {  	v9 =	vld [tilespmem:$0x90];
	_ =	sdelay $0x7  }
0x78: {  	[tilespmem:v9+s16+$0x0] =	vst.idx.msk $0xffff, v5  }
0x79: {  	v9 =	vld [tilespmem:$0xA0];
	_ =	sdelay $0x7  }
0x7a: {  	[tilespmem:v9+s16+$0x0] =	vst.idx.msk $0xffff, v5  }
0x7b: {  	v9 =	vld [tilespmem:$0xB0];
	_ =	sdelay $0x7  }
0x7c: {  	[tilespmem:v9+s16+$0x0] =	vst.idx.msk $0xffff, v5  }
0x7d: {  	v9 =	vld [tilespmem:$0xC0];
	_ =	sdelay $0x7  }
0x7e: {  	[tilespmem:v9+s16+$0x0] =	vst.idx.msk $0xffff, v5  }
0x7f: {  	v9 =	vld [tilespmem:$0xD0];
	_ =	sdelay $0x7  }
0x80: {  	[tilespmem:v9+s16+$0x0] =	vst.idx.msk $0xffff, v5  }
0x81: {  	v9 =	vld [tilespmem:$0xE0];
	_ =	sdelay $0x7  }
0x82: {  	[tilespmem:v9+s16+$0x0] =	vst.idx.msk $0xffff, v5  }
0x83: {  	v9 =	vld [tilespmem:$0xF0];
	_ =	sdelay $0x7  }
0x84: {  	[tilespmem:v9+s16+$0x0] =	vst.idx.msk $0xffff, v5  }
0x85: {  	v9 =	vld [tilespmem:$0x100];
	_ =	sdelay $0x7  }
0x86: {  	[tilespmem:v9+s16+$0x0] =	vst.idx.msk $0xffff, v5  }
0x87: {  	v9 =	vld [tilespmem:$0x110];
	_ =	sdelay $0x7  }
0x88: {  	[tilespmem:v9+s16+$0x0] =	vst.idx.msk $0xffff, v5  }
0x89: {  	v9 =	vld [tilespmem:$0x120];
	_ =	sdelay $0x7  }
0x8a: {  	[tilespmem:v9+s16+$0x0] =	vst.idx.msk $0xffff, v5  }
0x8b: {  	v9 =	vld [tilespmem:$0x130];
	_ =	sdelay $0x7  }
0x8c: {  	[tilespmem:v9+s16+$0x0] =	vst.idx.msk $0xffff, v5  }
0x8d: {  	v9 =	vld [tilespmem:$0x140];
	_ =	sdelay $0x7  }
0x8e: {  	[tilespmem:v9+s16+$0x0] =	vst.idx.msk $0xffff, v5  }
0x8f: {  	v9 =	vld [tilespmem:$0x150];
	_ =	sdelay $0x7  }
0x90: {  	[tilespmem:v9+s16+$0x0] =	vst.idx.msk $0xffff, v5  }
0x91: {  	v9 =	vld [tilespmem:$0x160];
	_ =	sdelay $0x7  }
0x92: {  	[tilespmem:v9+s16+$0x0] =	vst.idx.msk $0xffff, v5  }
0x93: {  	v9 =	vld [tilespmem:$0x170];
	_ =	sdelay $0x7  }
0x94: {  	[tilespmem:v9+s16+$0x0] =	vst.idx.msk $0xffff, v5  }
0x95: {  	v9 =	vld [tilespmem:$0x180];
	_ =	sdelay $0x7  }
0x96: {  	[tilespmem:v9+s16+$0x0] =	vst.idx.msk $0xffff, v5  }
0x97: {  	v9 =	vld [tilespmem:$0x190];
	_ =	sdelay $0x7  }
0x98: {  	[tilespmem:v9+s16+$0x0] =	vst.idx.msk $0xffff, v5  }
0x99: {  	v9 =	vld [tilespmem:$0x1A0];
	_ =	sdelay $0x7  }
0x9a: {  	[tilespmem:v9+s16+$0x0] =	vst.idx.msk $0xffff, v5  }
0x9b: {  	v9 =	vld [tilespmem:$0x1B0];
	_ =	sdelay $0x7  }
0x9c: {  	[tilespmem:v9+s16+$0x0] =	vst.idx.msk $0xffff, v5  }
0x9d: {  	v9 =	vld [tilespmem:$0x1C0];
	_ =	sdelay $0x7  }
0x9e: {  	[tilespmem:v9+s16+$0x0] =	vst.idx.msk $0xffff, v5  }
0x9f: {  	v9 =	vld [tilespmem:$0x1D0];
	_ =	sdelay $0x7  }
0xa0: {  	[tilespmem:v9+s16+$0x0] =	vst.idx.msk $0xffff, v5  }
0xa1: {  	v9 =	vld [tilespmem:$0x1E0];
	_ =	sdelay $0x7  }
0xa2: {  	[tilespmem:v9+s16+$0x0] =	vst.idx.msk $0xffff, v5  }
0xa3: {  	v9 =	vld [tilespmem:$0x1F0];
	_ =	sdelay $0x7  }
0xa4: {  	[tilespmem:v9+s16+$0x0] =	vst.idx.msk $0xffff, v5  }
0xa5: {  	v9 =	vld [tilespmem:$0x200];
	_ =	sdelay $0x7  }
0xa6: {  	[tilespmem:v9+s16+$0x0] =	vst.idx.msk $0xffff, v5  }
0xa7: {  	v9 =	vld [tilespmem:$0x210];
	_ =	sdelay $0x7  }
0xa8: {  	[tilespmem:v9+s16+$0x0] =	vst.idx.msk $0xffff, v5  }
0xa9: {  	v9 =	vld [tilespmem:$0x220];
	_ =	sdelay $0x7  }
0xaa: {  	[tilespmem:v9+s16+$0x0] =	vst.idx.msk $0xffff, v5  }
0xab: {  	v9 =	vld [tilespmem:$0x230];
	_ =	sdelay $0x7  }
0xac: {  	[tilespmem:v9+s16+$0x0] =	vst.idx.msk $0xffff, v5  }
0xad: {  	v9 =	vld [tilespmem:$0x240];
	_ =	sdelay $0x7  }
0xae: {  	[tilespmem:v9+s16+$0x0] =	vst.idx.msk $0xffff, v5  }
0xaf: {  	v9 =	vld [tilespmem:$0x250];
	_ =	sdelay $0x7  }
0xb0: {  	[tilespmem:v9+s16+$0x0] =	vst.idx.msk $0xffff, v5  }
0xb1: {  	v9 =	vld [tilespmem:$0x260];
	_ =	sdelay $0x7  }
0xb2: {  	[tilespmem:v9+s16+$0x0] =	vst.idx.msk $0xffff, v5  }
0xb3: {  	v9 =	vld [tilespmem:$0x270];
	_ =	sdelay $0x7  }
0xb4: {  	[tilespmem:v9+s16+$0x0] =	vst.idx.msk $0xffff, v5  }
0xb5: {  	v9 =	vld [tilespmem:$0x280];
	_ =	sdelay $0x7  }
0xb6: {  	[tilespmem:v9+s16+$0x0] =	vst.idx.msk $0xffff, v5  }
0xb7: {  	v9 =	vld [tilespmem:$0x290];
	_ =	sdelay $0x7  }
0xb8: {  	[tilespmem:v9+s16+$0x0] =	vst.idx.msk $0xffff, v5  }
0xb9: {  	v9 =	vld [tilespmem:$0x2A0];
	_ =	sdelay $0x7  }
0xba: {  	[tilespmem:v9+s16+$0x0] =	vst.idx.msk $0xffff, v5  }
0xbb: {  	v9 =	vld [tilespmem:$0x2B0];
	_ =	sdelay $0x7  }
0xbc: {  	[tilespmem:v9+s16+$0x0] =	vst.idx.msk $0xffff, v5  }
0xbd: {  	v9 =	vld [tilespmem:$0x2C0];
	_ =	sdelay $0x7  }
0xbe: {  	[tilespmem:v9+s16+$0x0] =	vst.idx.msk $0xffff, v5  }
0xbf: {  	v9 =	vld [tilespmem:$0x2D0];
	_ =	sdelay $0x7  }
0xc0: {  	[tilespmem:v9+s16+$0x0] =	vst.idx.msk $0xffff, v5  }
0xc1: {  	v9 =	vld [tilespmem:$0x2E0];
	_ =	sdelay $0x7  }
0xc2: {  	[tilespmem:v9+s16+$0x0] =	vst.idx.msk $0xffff, v5  }
0xc3: {  	v9 =	vld [tilespmem:$0x2F0];
	_ =	sdelay $0x7  }
0xc4: {  	[tilespmem:v9+s16+$0x0] =	vst.idx.msk $0xffff, v5  }
0xc5: {  	v9 =	vld [tilespmem:$0x300];
	_ =	sdelay $0x7  }
0xc6: {  	[tilespmem:v9+s16+$0x0] =	vst.idx.msk $0xffff, v5  }
0xc7: {  	v9 =	vld [tilespmem:$0x310];
	_ =	sdelay $0x7  }
0xc8: {  	[tilespmem:v9+s16+$0x0] =	vst.idx.msk $0xffff, v5  }
0xc9: {  	v9 =	vld [tilespmem:$0x320];
	_ =	sdelay $0x7  }
0xca: {  	[tilespmem:v9+s16+$0x0] =	vst.idx.msk $0xffff, v5  }
0xcb: {  	v9 =	vld [tilespmem:$0x330];
	_ =	sdelay $0x7  }
0xcc: {  	[tilespmem:v9+s16+$0x0] =	vst.idx.msk $0xffff, v5  }
0xcd: {  	v9 =	vld [tilespmem:$0x340];
	_ =	sdelay $0x7  }
0xce: {  	[tilespmem:v9+s16+$0x0] =	vst.idx.msk $0xffff, v5  }
0xcf: {  	v9 =	vld [tilespmem:$0x350];
	_ =	sdelay $0x7  }
0xd0: {  	[tilespmem:v9+s16+$0x0] =	vst.idx.msk $0xffff, v5  }
0xd1: {  	v9 =	vld [tilespmem:$0x360];
	_ =	sdelay $0x7  }
0xd2: {  	[tilespmem:v9+s16+$0x0] =	vst.idx.msk $0xffff, v5  }
0xd3: {  	v9 =	vld [tilespmem:$0x370];
	_ =	sdelay $0x7  }
0xd4: {  	[tilespmem:v9+s16+$0x0] =	vst.idx.msk $0xffff, v5  }
0xd5: {  	v9 =	vld [tilespmem:$0x380];
	_ =	sdelay $0x7  }
0xd6: {  	[tilespmem:v9+s16+$0x0] =	vst.idx.msk $0xffff, v5  }
0xd7: {  	v9 =	vld [tilespmem:$0x390];
	_ =	sdelay $0x7  }
0xd8: {  	[tilespmem:v9+s16+$0x0] =	vst.idx.msk $0xffff, v5  }
0xd9: {  	v9 =	vld [tilespmem:$0x3A0];
	_ =	sdelay $0x7  }
0xda: {  	[tilespmem:v9+s16+$0x0] =	vst.idx.msk $0xffff, v5  }
0xdb: {  	v9 =	vld [tilespmem:$0x3B0];
	_ =	sdelay $0x7  }
0xdc: {  	[tilespmem:v9+s16+$0x0] =	vst.idx.msk $0xffff, v5  }
0xdd: {  	v9 =	vld [tilespmem:$0x3C0];
	_ =	sdelay $0x7  }
0xde: {  	[tilespmem:v9+s16+$0x0] =	vst.idx.msk $0xffff, v5  }
0xdf: {  	v9 =	vld [tilespmem:$0x3D0];
	_ =	sdelay $0x7  }
0xe0: {  	[tilespmem:v9+s16+$0x0] =	vst.idx.msk $0xffff, v5  }
0xe1: {  	v9 =	vld [tilespmem:$0x3E0];
	_ =	sdelay $0x7  }
0xe2: {  	[tilespmem:v9+s16+$0x0] =	vst.idx.msk $0xffff, v5  }
0xe3: {  	v9 =	vld [tilespmem:$0x3F0];
	_ =	sdelay $0x7  }
0xe4: {  	[tilespmem:v9+s16+$0x0] =	vst.idx.msk $0xffff, v5  }
0xe5: {  	[tilespmem:s4], [sflag:$0x5] =	stream.strided.gather [hbm4b:s9+s19], $0x5000, s10, s19, $0x38;
	[tilespmem:$0x1FF40] =	vst v63  }
0xe6: {  	_ = 	snop  }
0xe7: {  	[tilespmem:s29], [sflag:$0x5] =	stream.strided.gather [hbm4b:s12+s19], $0x5000, s10, s19, $0x38;
	[tilespmem:$0x1FF40] =	vst v63  }
0xe8: {  	_ =	swait.ge [sflag:s17], $0x5000  }
0xe9: {  	[sflag:s17] =	ssyncset.done $0x0  }
0xea: {  	[sflag:s17] =	ssyncadd.s32 $0xFFFFB000  }
0xeb: {  	_ =	swait.ge [sflag:s17], $0x5000  }
0xec: {  	[sflag:s17] =	ssyncset.done $0x0  }
0xed: {  	s22 =	simm.s32 $0x0;
	[sflag:s17] =	ssyncadd.s32 $0xFFFFB000  }
0xee: {  	v9 =	vld [tilespmem:s22+$0x0];
	_ =	sdelay $0x4  }
0xef: {  	vm0 =	vgt.s32 v9, $0x0  }
0xf0: {  	v10 =	vnsel vm0, $0x0, v9;
	_ =	sdelay $0x4  }
0xf1: {  	v10 =	vld.idx.msk [tilespmem:v10+s16+$0x0], $0xffff;
	_ =	sdelay $0x4  }
0xf2: {  	v11 =	vld [tilespmem:s22+$0x10];
	vm1 =	vge.s32 v9, v0;
	vm9 =	veq.s32 v10, $0x1  }
0xf3: {  	vm10 =	vlt.s32 v9, v1;
	vm0 =	vmand vm1, vm9  }
0xf4: {  	v9 =	vsub.s32 v9, v0;
	vm0 =	vmand vm10, vm0  }
0xf5: {  	v9 =	vnsel vm0, $0x0, v9  }
0xf6: {  	v10 =	vsel vm0, $0x1, v7  }
0xf7: {  	vm11 =	vgt.s32 v11, $0x0;
	(xrf0) =	vadd.scan.msk.s32 $0xffff, v10;
	v10 =	vld [tilespmem:s22+$0x5080]  }
0xf8: {  	v12 =	vnsel vm11, $0x0, v11  }
0xf9: {  	v13 =	vld [tilespmem:s22+$0x5090]  }
0xfa: {  	[tilespmem:v9+s15+$0x0] =	vst.idx.add.f32.msk vm0, v6  }
0xfb: {  	[tilespmem:s4+$0x0] =	vst.msk vm0, v9  }
0xfc: {  	[tilespmem:s4+$0x5080] =	vst.msk vm0, v10  }
0xfd: {  	v9, _, _ =	vpop (xrf0);
	v10 =	vld.idx.msk [tilespmem:v12+s16+$0x0], $0xffff  }
0xfe: {  	(v2sf) =	vpush v9, $0xF;
	_ =	sdelay $0x3  }
0xff: {  	vm13 =	vge.s32 v11, v0;
	vm12 =	veq.s32 v10, $0x1  }
0x100: {  	vm14 =	vlt.s32 v11, v1;
	vm0 =	vmand vm13, vm12  }
0x101: {  	vm0 =	vmand vm14, vm0  }
0x102: {  	v9 =	vsel vm0, $0x1, v7  }
0x103: {  	(xrf0) =	vadd.scan.msk.s32 $0xffff, v9;
	_ =	sdelay $0x1  }
0x104: {  	v9 =	vsub.s32 v11, v0  }
0x105: {  	v9 =	vnsel vm0, $0x0, v9;
	_ =	sdelay $0x2  }
0x106: {  	v10, _, _ =	vpop (xrf0)  }
0x107: {  	s28 =	spop (v2sf);
	(v2sf) =	vpush v10, $0xF  }
0x108: {  	[tilespmem:v9+s15+$0x0] =	vst.idx.add.f32.msk vm0, v6;
	s22 =	sadd.s32 $0x0, s28  }
0x109: {  	[tilespmem:s22+$0x0] =	vst.msk vm0, v9  }
0x10a: {  	s1 =	simm.s32 $0x20;
	[tilespmem:s22+$0x5080] =	vst.msk vm0, v13  }
0x10b: {  	v9 =	vld [tilespmem:s1+$0x0];
	_ =	sdelay $0x4  }
0x10c: {  	vm15 =	vgt.s32 v9, $0x0  }
0x10d: {  	v10 =	vnsel vm15, $0x0, v9;
	_ =	sdelay $0x4  }
0x10e: {  	s0 =	simm.s32 $0x100;
	v10 =	vld.idx.msk [tilespmem:v10+s16+$0x0], $0xffff;
	s3 =	spop (v2sf)  }
.LBB2_2:
0x10f: {  	p1 =	sne.s32 s0, $0x13F80  }
0x110: {  	s22 =	sadd.s32 s22, s3;
	s3 =	smov.u32 s0;
	s0 =	sadd.s32 $0x80, s0  }
0x111: {  	_ =	sdelay $0x1  }
0x112: {  	vm1 =	vge.s32 v9, v0;
	vm0 =	veq.s32 v10, $0x1;
	v11 =	vld [tilespmem:s1+$0x10]  }
0x113: {  	vm0 =	vmand vm1, vm0;
	vm1 =	vlt.s32 v9, v1  }
0x114: {  	v9 =	vsub.s32 v9, v0;
	vm0 =	vmand vm1, vm0  }
0x115: {  	v9 =	vnsel vm0, $0x0, v9;
	v10 =	vsel vm0, $0x1, v7  }
0x116: {  	(xrf0) =	vadd.scan.msk.s32 $0xffff, v10  }
0x117: {  	v10 =	vld [tilespmem:s1+$0x5080];
	vm1 =	vgt.s32 v11, $0x0  }
0x118: {  	v12 =	vnsel vm1, $0x0, v11  }
0x119: {  	v13 =	vld [tilespmem:s1+$0x5090]  }
0x11a: {  	[tilespmem:v9+s15+$0x0] =	vst.idx.add.f32.msk vm0, v6  }
0x11b: {  	[tilespmem:s22+$0x0] =	vst.msk vm0, v9  }
0x11c: {  	[tilespmem:s22+$0x5080] =	vst.msk vm0, v10;
	v9, _, _ =	vpop (xrf0)  }
0x11d: {  	v10 =	vld.idx.msk [tilespmem:v12+s16+$0x0], $0xffff;
	(v2sf) =	vpush v9, $0xF;
	_ =	sdelay $0x5  }
0x11e: {  	vm1 =	vge.s32 v11, v0;
	vm0 =	veq.s32 v10, $0x1  }
0x11f: {  	vm0 =	vmand vm1, vm0;
	vm1 =	vlt.s32 v11, v1  }
0x120: {  	vm0 =	vmand vm1, vm0  }
0x121: {  	v9 =	vsel vm0, $0x1, v7  }
0x122: {  	v10 =	vsub.s32 v11, v0;
	(xrf0) =	vadd.scan.msk.s32 $0xffff, v9  }
0x123: {  	v9 =	vnsel vm0, $0x0, v10;
	_ =	sdelay $0x3  }
0x124: {  	s1 =	spop (v2sf)  }
0x125: {  	s22 =	sadd.s32 s22, s1;
	[tilespmem:v9+s15+$0x0] =	vst.idx.add.f32.msk vm0, v6;
	v10, _, _ =	vpop (xrf0)  }
0x126: {  	[tilespmem:s22+$0x0] =	vst.msk vm0, v9;
	(v2sf) =	vpush v10, $0xF  }
0x127: {  	s1 =	sshra.s32 s3, $0x2;
	[tilespmem:s22+$0x5080] =	vst.msk vm0, v13  }
0x128: {  	v9 =	vld [tilespmem:s1+$0x0];
	_ =	sdelay $0x4  }
0x129: {  	vm0 =	vgt.s32 v9, $0x0  }
0x12a: {  	v10 =	vnsel vm0, $0x0, v9;
	_ =	sdelay $0x2  }
.Ltmp2:
0x12b: {  	(pc) =	sbr.rel @p1 .LBB2_2-.Ltmp2, $3  }
0x12c: {  	_ = 	snop  }
0x12d: {  	v10 =	vld.idx.msk [tilespmem:v10+s16+$0x0], $0xffff;
	_ =	sdelay $0x1  }
0x12e: {  	s3 =	spop (v2sf)  }
0x12f: {  	_ =	sdelay $0x1  }
0x130: {  	v11 =	vld [tilespmem:s1+$0x10];
	vm1 =	vge.s32 v9, v0;
	vm0 =	veq.s32 v10, $0x1  }
0x131: {  	vm11 =	vlt.s32 v9, v1;
	vm0 =	vmand vm1, vm0  }
0x132: {  	v9 =	vsub.s32 v9, v0;
	vm0 =	vmand vm11, vm0  }
0x133: {  	v9 =	vnsel vm0, $0x0, v9;
	_ =	sdelay $0x1  }
0x134: {  	v10 =	vld [tilespmem:s1+$0x5080];
	vm12 =	vgt.s32 v11, $0x0  }
0x135: {  	v12 =	vnsel vm12, $0x0, v11  }
0x136: {  	v13 =	vld [tilespmem:s1+$0x5090]  }
0x137: {  	s0 =	sadd.s32 s22, s3;
	[tilespmem:v9+s15+$0x0] =	vst.idx.add.f32.msk vm0, v6  }
0x138: {  	[tilespmem:s0+$0x0] =	vst.msk vm0, v9  }
0x139: {  	[tilespmem:s0+$0x5080] =	vst.msk vm0, v10  }
0x13a: {  	v9 =	vld.idx.msk [tilespmem:v12+s16+$0x0], $0xffff;
	_ =	sdelay $0x4  }
0x13b: {  	vm2 =	vge.s32 v11, v0;
	vm13 =	veq.s32 v9, $0x1  }
0x13c: {  	vm15 =	vlt.s32 v11, v1;
	v9 =	vsel vm0, $0x1, v7;
	vm14 =	vmand vm2, vm13  }
0x13d: {  	(xrf0) =	vadd.scan.msk.s32 $0xffff, v9;
	vm0 =	vmand vm15, vm14  }
0x13e: {  	v9 =	vsel vm0, $0x1, v7  }
0x13f: {  	(xrf0) =	vadd.scan.msk.s32 $0xffff, v9;
	_ =	sdelay $0x3  }
0x140: {  	v9, _, _ =	vpop (xrf0)  }
0x141: {  	(v2sf) =	vpush v9, $0xF  }
0x142: {  	v9, _, _ =	vpop (xrf0)  }
0x143: {  	(v2sf) =	vpush v9, $0xF;
	_ =	sdelay $0x7  }
0x144: {  	v9 =	vsub.s32 v11, v0  }
0x145: {  	v9 =	vnsel vm0, $0x0, v9;
	_ =	sdelay $0x3  }
0x146: {  	s22 =	spop (v2sf)  }
0x147: {  	[tilespmem:v9+s15+$0x0] =	vst.idx.add.f32.msk vm0, v6;
	s0 =	sadd.s32 s0, s22  }
0x148: {  	[tilespmem:s0+$0x0] =	vst.msk vm0, v9;
	s28 =	spop (v2sf)  }
0x149: {  	[tilespmem:s0+$0x5080] =	vst.msk vm0, v13;
	s0 =	sadd.s32 s0, s28  }
0x14a: {  	[tilespmem:s0+$0x0] =	vst v8  }
0x14b: {  	[tilespmem:s0+$0x5080] =	vst v8  }
0x14c: {  	[tilespmem:s0+$0x10] =	vst v8  }
0x14d: {  	[tilespmem:s0+$0x5090] =	vst v8  }
0x14e: {  	[tilespmem:s0+$0x20] =	vst v8  }
0x14f: {  	[tilespmem:s0+$0x50A0] =	vst v8  }
0x150: {  	[tilespmem:s0+$0x30] =	vst v8  }
0x151: {  	[tilespmem:s0+$0x50B0] =	vst v8  }
0x152: {  	[tilespmem:s0+$0x40] =	vst v8  }
0x153: {  	[tilespmem:s0+$0x50C0] =	vst v8  }
0x154: {  	[tilespmem:s0+$0x50] =	vst v8  }
0x155: {  	[tilespmem:s0+$0x50D0] =	vst v8;
	s1 =	sadd.s32 $0x7F, s0  }
0x156: {  	[tilespmem:s0+$0x60] =	vst v8;
	p1 =	slt.s32 s1, $0x80  }
.Ltmp3:
0x157: {  	[tilespmem:s0+$0x50E0] =	vst v8;
	(pc) =	sbr.rel @p1 .LBB2_13-.Ltmp3, $3  }
0x158: {  	[tilespmem:s0+$0x70] =	vst v8  }
0x159: {  	[tilespmem:s0+$0x50F0] =	vst v8  }
0x15a: {  	[bflag:$0x0] =	sbarrier.arrive $0xFFFF;
	_ =	sdelay $0x1  }
0x15b: {  	(ifvalue) =	ssetifvalue $0xFFFFFFFF  }
0x15c: {  	p1 =	slt.u32 s1, $0x100;
	(ifvalue) =	ssetifvalue $0xFFFFFFFF  }
0x15d: {  	[tilespmem:s30], [sflag:$0x1] =	stream.indirect.gather [hbm4b:s5+s19], $0x80, s29, s19, $0x40b8;
	[tilespmem:$0x1FF40] =	vst v63  }
0x15e: {  	s3 =	simm.s32 @!p1 $0x80;
	(ifvalue) =	ssetifvalue @!p1 $0xFFFFFFFF  }
0x15f: {  	s7 =	simm.s32 @!p1 $0x5100;
	s21 =	simm.s32 @!p1 $0x10880;
	(ifvalue) =	ssetifvalue @!p1 $0xFFFFFFFF  }
0x160: {  	[tilespmem:s21], [sflag:$0x2] =	stream.indirect.gather @!p1 [hbm4b:s5+s3], $0x80, s7, s3, $0x40b8;
	[tilespmem:$0x1FF40] =	vst v63  }
0x161: {  	s3 =	simm.s32 $0x1  }
0x162: {  	_ =	swait.ge [sflag:s3], $0x4000  }
0x163: {  	[sflag:s3] =	ssyncset.done $0x0  }
0x164: {  	[sflag:s3] =	ssyncadd.s32 $0xFFFFC000  }
0x165: {  	v9 =	vld [tilespmem:$0x0]  }
0x166: {  	v10 =	vld [tilespmem:$0x10]  }
0x167: {  	v11 =	vld [tilespmem:$0x20]  }
0x168: {  	v12 =	vld [tilespmem:$0x30]  }
0x169: {  	v13 =	vld [tilespmem:$0x40]  }
0x16a: {  	[tilespmem:$0x15D00] =	vst v9;
	v9 =	vld [tilespmem:$0x50]  }
0x16b: {  	[tilespmem:$0x15D10] =	vst v10;
	v10 =	vld [tilespmem:$0x60]  }
0x16c: {  	[tilespmem:$0x15D20] =	vst v11;
	v11 =	vld [tilespmem:$0x70]  }
0x16d: {  	p1 =	slt.s32 s0, $0x81;
	[tilespmem:$0x15D30] =	vst v12  }
.Ltmp4:
0x16e: {  	s21 =	sshra.s32 s1, $0x1F;
	[tilespmem:$0x15D40] =	vst v13;
	(pc) =	sbr.rel @p1 .LBB2_12-.Ltmp4, $4  }
0x16f: {  	s7 =	sshrl.u32 s21, $0x19;
	[tilespmem:$0x15D50] =	vst v9  }
0x170: {  	s22 =	sadd.s32 s7, s1;
	[tilespmem:$0x15D60] =	vst v10  }
0x171: {  	s28 =	sshra.s32 s22, $0x7;
	[tilespmem:$0x15D70] =	vst v11;
	(ifvalue) =	ssetifvalue $0xFFFFFFFF  }
0x172: {  	[spmem:s2] =	stream.indirect.scatter.add.f32 [tilespmem:s30], [sflag:$0x3], $0x80, s31, s19, $0x40b8;
	[tilespmem:$0x1FF40] =	vst v63  }
0x173: {  	p2 =	sne.s32 s28, $0x2  }
.Ltmp5:
0x174: {  	_ = 	snop;
	(pc) =	sbr.rel @!p2 .LBB2_6-.Ltmp5, $4  }
0x175: {  	_ = 	snop  }
0x176: {  	s31 =	simm.s32 $0x5180  }
0x177: {  	s29 =	simm.s32 $0xF0;
	s23 =	simm.s32 $0x2;
	s3 =	sand.u32 $0x1, s3  }
0x178: {  	p1 =	por $0x0, $0x0;
	s22 =	sxor.u32 $0x1, s3;
	s30 =	sshll.u32 s3, $0xE  }
0x179: {  	s0 =	sadd.s32 $0x3, s22  }
0x17a: {  	p1 =	sle.s32 s28, $0x2;
	_ =	swait.ge [sflag:s0], $0x4000  }
0x17b: {  	s25 =	sadd.s32 $0x1, s3;
	s1 =	sshll.u32 @!p1 s22, $0xE;
	[sflag:s0] =	ssyncset.done $0x0  }
0x17c: {  	s7 =	simm.s32 @!p1 $0x80;
	[sflag:s0] =	ssyncadd.s32 $0xFFFFC000;
	(ifvalue) =	ssetifvalue @!p1 $0xFFFFFFFF  }
0x17d: {  	s21 =	sadd.s32 @!p1 $0x1, s22;
	s1 =	sadd.s32 @!p1 $0xC880, s1;
	(ifvalue) =	ssetifvalue @!p1 $0xFFFFFFFF  }
0x17e: {  	[tilespmem:s1], [sflag:s21] =	stream.indirect.gather @!p1 [hbm4b:s5+s7], $0x80, s31, s7, $0x40b8;
	[tilespmem:$0x1FF40] =	vst v63  }
0x17f: {  	_ =	swait.ge [sflag:s25], $0x4000  }
0x180: {  	[sflag:s25] =	ssyncset.done $0x0  }
0x181: {  	[sflag:s25] =	ssyncadd.s32 $0xFFFFC000  }
0x182: {  	v9 =	vld [tilespmem:s29+$0xFFFFFF90];
	_ =	sdelay $0x2  }
0x183: {  	s10 =	smov.u32 s11;
	s11 =	smov.u32 s13;
	s13 =	smov.u32 s12  }
0x184: {  	s12 =	smov.u32 s9;
	s9 =	smov.u32 s24;
	s24 =	sshll.u32 s3, $0x7  }
0x185: {  	[tilespmem:s24+$0x15D00] =	vst v9  }
0x186: {  	v9 =	vld [tilespmem:s29+$0xFFFFFFA0];
	_ =	sdelay $0x4  }
0x187: {  	[tilespmem:s24+$0x15D10] =	vst v9  }
0x188: {  	v9 =	vld [tilespmem:s29+$0xFFFFFFB0];
	_ =	sdelay $0x4  }
0x189: {  	[tilespmem:s24+$0x15D20] =	vst v9  }
0x18a: {  	v9 =	vld [tilespmem:s29+$0xFFFFFFC0];
	_ =	sdelay $0x4  }
0x18b: {  	[tilespmem:s24+$0x15D30] =	vst v9  }
0x18c: {  	v9 =	vld [tilespmem:s29+$0xFFFFFFD0];
	_ =	sdelay $0x4  }
0x18d: {  	[tilespmem:s24+$0x15D40] =	vst v9  }
0x18e: {  	v9 =	vld [tilespmem:s29+$0xFFFFFFE0];
	_ =	sdelay $0x4  }
0x18f: {  	[tilespmem:s24+$0x15D50] =	vst v9  }
0x190: {  	v9 =	vld [tilespmem:s29+$0xFFFFFFF0];
	_ =	sdelay $0x4  }
0x191: {  	[tilespmem:s24+$0x15D60] =	vst v9  }
0x192: {  	p2 =	sne.s32 s28, $0x3;
	v9 =	vld [tilespmem:s29+$0x0]  }
.Ltmp6:
0x193: {  	_ = 	snop;
	(pc) =	sbr.rel @!p2 .LBB2_8-.Ltmp6, $4  }
0x194: {  	s0 =	sand.u32 $0x1, s23;
	s23 =	simm.s32 $0x3  }
0x195: {  	s1 =	simm.s32 $0x3;
	s31 =	simm.s32 $0x5200;
	s21 =	sadd.s32 $0x3, s3  }
0x196: {  	s22 =	sxor.u32 $0x1, s0;
	s7 =	sor.u32 $0x15D00, s24;
	p1 =	por $0x1, $0x1  }
0x197: {  	s25 =	sadd.s32 $0xC880, s30;
	s30 =	sshll.u32 s0, $0xE;
	s29 =	simm.s32 $0x170;
	[tilespmem:s24+$0x15D70] =	vst v9  }
.LBB2_9:
0x198: {  	s24 =	sadd.s32 $0x3, s22  }
0x199: {  	(ifvalue) =	ssetifvalue $0xFFFFFFFF;
	s3 =	smov.u32 s23;
	s23 =	sadd.s32 $0x1, s23  }
0x19a: {  	[spmem:s2] =	stream.indirect.scatter.add.f32 [tilespmem:s25], [sflag:s21], $0x80, s7, s19, $0x40b8;
	[tilespmem:$0x1FF40] =	vst v63  }
0x19b: {  	p2 =	sne.s32 s28, s23;
	_ =	swait.ge [sflag:s24], $0x4000  }
0x19c: {  	[sflag:s24] =	ssyncset.done $0x0  }
0x19d: {  	p3 =	sge.s32 s1, s28;
	s7 =	sadd.s32 $0x1, s0;
	[sflag:s24] =	ssyncadd.s32 $0xFFFFC000  }
0x19e: {  	s1 =	sshll.u32 @!p3 s22, $0xE;
	s21 =	simm.s32 @!p3 $0x80;
	(ifvalue) =	ssetifvalue @!p3 $0xFFFFFFFF  }
0x19f: {  	s22 =	sadd.s32 @!p3 $0x1, s22;
	s1 =	sadd.s32 @!p3 $0xC880, s1;
	(ifvalue) =	ssetifvalue @!p3 $0xFFFFFFFF  }
0x1a0: {  	[tilespmem:s1], [sflag:s22] =	stream.indirect.gather @!p3 [hbm4b:s5+s21], $0x80, s31, s21, $0x40b8;
	[tilespmem:$0x1FF40] =	vst v63  }
0x1a1: {  	s1 =	smov.u32 s23;
	_ =	swait.ge [sflag:s7], $0x4000  }
0x1a2: {  	[sflag:s7] =	ssyncset.done $0x0  }
0x1a3: {  	[sflag:s7] =	ssyncadd.s32 $0xFFFFC000  }
0x1a4: {  	v9 =	vld [tilespmem:s29+$0xFFFFFF90];
	_ =	sdelay $0x3  }
0x1a5: {  	s24 =	sshll.u32 s0, $0x7  }
0x1a6: {  	[tilespmem:s24+$0x15D00] =	vst v9  }
0x1a7: {  	v9 =	vld [tilespmem:s29+$0xFFFFFFA0];
	_ =	sdelay $0x4  }
0x1a8: {  	[tilespmem:s24+$0x15D10] =	vst v9  }
0x1a9: {  	v9 =	vld [tilespmem:s29+$0xFFFFFFB0];
	_ =	sdelay $0x4  }
0x1aa: {  	[tilespmem:s24+$0x15D20] =	vst v9  }
0x1ab: {  	v9 =	vld [tilespmem:s29+$0xFFFFFFC0];
	_ =	sdelay $0x4  }
0x1ac: {  	[tilespmem:s24+$0x15D30] =	vst v9  }
0x1ad: {  	v9 =	vld [tilespmem:s29+$0xFFFFFFD0];
	_ =	sdelay $0x4  }
0x1ae: {  	[tilespmem:s24+$0x15D40] =	vst v9  }
0x1af: {  	v9 =	vld [tilespmem:s29+$0xFFFFFFE0];
	_ =	sdelay $0x4  }
0x1b0: {  	[tilespmem:s24+$0x15D50] =	vst v9  }
0x1b1: {  	v9 =	vld [tilespmem:s29+$0xFFFFFFF0];
	_ =	sdelay $0x4  }
0x1b2: {  	[tilespmem:s24+$0x15D60] =	vst v9  }
0x1b3: {  	v9 =	vld [tilespmem:s29+$0x0]  }
.Ltmp7:
0x1b4: {  	(pc) =	sbr.rel @p2 .LBB2_9-.Ltmp7, $4  }
0x1b5: {  	_ = 	snop  }
0x1b6: {  	s31 =	sadd.s32 $0x80, s31;
	s29 =	sadd.s32 $0x80, s29  }
0x1b7: {  	s25 =	sadd.s32 $0xC880, s30;
	s21 =	sadd.s32 $0x3, s0;
	s0 =	sand.u32 $0x1, s3  }
0x1b8: {  	s22 =	sxor.u32 $0x1, s0;
	s30 =	sshll.u32 s0, $0xE;
	s7 =	sor.u32 $0x15D00, s24;
	[tilespmem:s24+$0x15D70] =	vst v9  }
.Ltmp8:
0x1b9: {  	(pc) =	sbr.rel .LBB2_11-.Ltmp8, $4  }
0x1ba: {  	_ = 	snop  }
0x1bb: {  	s23 =	smov.u32 s1;
	s3 =	smov.u32 s0  }
0x1bc: {  	s24 =	smov.u32 s9;
	s9 =	smov.u32 s12;
	s12 =	smov.u32 s13  }
0x1bd: {  	s13 =	smov.u32 s11;
	s11 =	smov.u32 s10;
	s10 =	simm.s32 $0x400  }
.LBB2_8:
.Ltmp9:
0x1be: {  	(pc) =	sbr.rel .LBB2_11-.Ltmp9, $4  }
0x1bf: {  	_ = 	snop  }
0x1c0: {  	s23 =	simm.s32 $0x3;
	s3 =	smov.u32 s0  }
0x1c1: {  	s24 =	smov.u32 s9;
	s9 =	smov.u32 s12;
	s12 =	smov.u32 s13  }
0x1c2: {  	s13 =	smov.u32 s11;
	s11 =	smov.u32 s10;
	s10 =	simm.s32 $0x400  }
.LBB2_14:
0x1c3: {  	_ =	sfence.sel $0x180000  }
0x1c4: {  	[bflag:$0x0] =	sbarrier.arrive $0xFFFF  }
0x1c5: {  	_ =	strace $0x90000047  }
0x1c6: {  	[bflag:$0x2] =	sbarrier.arrive $0xFFFF  }
0x1c7: {  	s0 =	rddreg [dreg:$0x4]  }
0x1c8: {  	s0 =	sadd.s32 @!p0 $0x100000, s0  }
0x1c9: {  	[sflag:s0] =	ssyncadd.tile.s32 @!p0 $0x1;
	_ =	shalt  }
.Lfunc_end2:
_tile_overlayer_lowered:
.L_overlay_start_2:
0x1ca: {  	(tag) =	ssettag $0x2  }
0x1cb: {  	s0 =	rddreg [dreg:$0x0];
	s2 =	stileid.u32  }
0x1cc: {  	s1 =	rddreg [dreg:$0x1];
	p0 =	sne.s32 s2, $0x0  }
0x1cd: {  	s3 =	rddreg [dreg:$0x2];
	[bflag:$0x3] =	sbarrier.arrive $0xFFFF;
	s2 =	simm.s32 @!p0 $0x1C05  }
0x1ce: {  	[timem:s3], [sflag:s2] =	dma.local @!p0 [hbm:s0], s1  }
0x1cf: {  	s0 =	simm.s32 @!p0 $0x5  }
0x1d0: {  	_ =	swait.ge @!p0 [sflag:s0], s1  }
0x1d1: {  	s1 =	ssub.s32 @!p0 $0x0, s1;
	[sflag:s0] =	ssyncset.done @!p0 $0x0  }
0x1d2: {  	[sflag:s0] =	ssyncadd.s32 @!p0 s1  }
0x1d3: {  	[bflag:$0x3] =	sbarrier.arrive $0xFFFF  }
0x1d4: {  	_ =	shalt  }

</sc_bundles>
